<compile_context>
chip_gen: v7x
topology: tpu7x:2x2x1
jax: 0.10.2.dev20260603
libtpu: 0.0.44.dev20260713+nightly
codegen_flags: <defaults>
</compile_context>

<pallas_src>
import dataclasses

import jax
import jax.numpy as jnp
from jax import lax
from jax.experimental import pallas as pl
from jax.experimental.pallas import tpu as pltpu
from jax.experimental.pallas import tpu_sc as plsc

N = 10000
K = 16
L = 16
NC = 2
NS = 16
NW = NC * NS
NPW = 320
NB = NPW // L


def _arap_tec(pc_hbm, idx_hbm, dist_hbm, out_hbm,
              pcx_v, pcy_v, pcz_v, bidx_v, bdist_v, acc_v, sem):
    cid = lax.axis_index("c")
    sid = lax.axis_index("s")
    wid = sid * NC + cid
    start = jnp.minimum(wid * NPW, N - NPW)
    b_lo = jnp.where(wid == NW - 1, NB - (N - (NW - 1) * NPW) // L, 0)

    copies = [
        pltpu.async_copy(pc_hbm.at[0], pcx_v, sem),
        pltpu.async_copy(pc_hbm.at[1], pcy_v, sem),
        pltpu.async_copy(pc_hbm.at[2], pcz_v, sem),
        pltpu.async_copy(idx_hbm.at[:, pl.ds(start, NPW)], bidx_v, sem),
        pltpu.async_copy(dist_hbm.at[:, pl.ds(start, NPW)], bdist_v, sem),
    ]
    for c in copies:
        c.wait()

    def outer(b, accs):
        acc0, acc1 = accs
        p0 = b * L
        cx = pcx_v[pl.ds(start + p0, L)]
        cy = pcy_v[pl.ds(start + p0, L)]
        cz = pcz_v[pl.ds(start + p0, L)]
        for k in range(K):
            idxv = bidx_v[k, pl.ds(p0, L)]
            gx = plsc.load_gather(pcx_v, [idxv])
            gy = plsc.load_gather(pcy_v, [idxv])
            gz = plsc.load_gather(pcz_v, [idxv])
            dx = cx - gx
            dy = cy - gy
            dz = cz - gz
            d2 = dx * dx + dy * dy + dz * dz
            term = jnp.abs(d2 - bdist_v[k, pl.ds(p0, L)])
            if k % 2 == 0:
                acc0 = acc0 + term
            else:
                acc1 = acc1 + term
        return acc0, acc1

    zero = jnp.zeros((L,), jnp.float32)
    acc0, acc1 = plsc.parallel_loop(b_lo, NB, unroll=2, carry=(zero, zero))(outer)
    acc_v[...] = acc0 + acc1
    pltpu.sync_copy(acc_v, out_hbm.at[wid])


@jax.jit
def _arap_sc(pcT, idxT, distT):
    cp = pltpu.CompilerParams(use_tc_tiling_on_sc=False)
    if "needs_layout_passes" in pltpu.CompilerParams.__dataclass_fields__:
        cp = dataclasses.replace(cp, needs_layout_passes=False)
    run = pl.kernel(
        _arap_tec,
        out_type=jax.ShapeDtypeStruct((NW, L), jnp.float32),
        compiler_params=cp,
        mesh=plsc.VectorSubcoreMesh(core_axis_name="c", subcore_axis_name="s"),
        scratch_types=[
            pltpu.VMEM((N,), jnp.float32),
            pltpu.VMEM((N,), jnp.float32),
            pltpu.VMEM((N,), jnp.float32),
            pltpu.VMEM((K, NPW), jnp.int32),
            pltpu.VMEM((K, NPW), jnp.float32),
            pltpu.VMEM((L,), jnp.float32),
            pltpu.SemaphoreType.DMA,
        ],
    )
    return run(pcT, idxT, distT)


def kernel(pc_transformed, nn_distances, nn_indices):
    if nn_indices.dtype != jnp.int32:
        nn_indices = nn_indices.astype(jnp.int32)
    partials = _arap_sc(pc_transformed.T, nn_indices.T, nn_distances.T)
    return jnp.sum(partials) / (N * K)

# --- scband reference (transcript-rebuilt; emitter-appended) ---
"""Pipeline reference for scband-araploss-89661737271727 (READ-ONLY COPY).

The authoritative reference and input builder live on the scoring server;
editing this copy changes nothing except your own understanding.
"""

import jax, jax.numpy as jnp
import numpy as np

N = 10000
K = 16

def setup_inputs(seed: int = 0) -> dict:
    key = jax.random.key(seed)
    k1, k2 = jax.random.split(key)
    base_pc = jax.random.normal(k1, (N, 3), dtype=jnp.float32)
    # Precompute KNN buffers exactly as the torch __init__ does (squared dists,
    # k+1 smallest sorted, drop self at position 0). Chunked to bound memory.
    idx_chunks = []
    dist_chunks = []
    chunk = 2000
    for s in range(0, N, chunk):
        d = ((base_pc[s:s + chunk, None, :] - base_pc[None, :, :]) ** 2).sum(axis=-1)  # [c, N] squared dists
        neg_d, inds = jax.lax.top_k(-d, K + 1)  # smallest K+1, ascending
        dist_chunks.append(-neg_d[:, 1:])
        idx_chunks.append(inds[:, 1:].astype(jnp.int64))
    nn_indices = jnp.concatenate(idx_chunks, axis=0)      # [N, K] int64
    nn_distances = jnp.concatenate(dist_chunks, axis=0)   # [N, K] float32 (squared)
    pc_transformed = jax.random.normal(k2, (N, 3), dtype=jnp.float32)
    return {"pc_transformed": pc_transformed, "nn_distances": nn_distances, "nn_indices": nn_indices}

def reference(pc_transformed, nn_distances, nn_indices):
    # torch: expand(N,N,3).gather(0, nn_indices[...,None].expand(N,K,3)) == pc_transformed[nn_indices]
    nn_positions = jnp.take(pc_transformed, nn_indices, axis=0)              # [N, K, 3]
    disp = pc_transformed[:, None, :] - nn_positions                         # [N, K, 3]
    loss = jnp.abs((disp ** 2).sum(axis=2) - nn_distances).sum() / (N * K)
    return loss

if __name__ == "__main__":
    import jax
    _d = setup_inputs()
    print(jax.jit(kernel)(*tuple(_d.values())))

</pallas_src>

<mosaic_0001>
#map = affine_map<(d0, d1) -> (0, 0)>
module attributes {stable_mosaic.version = 14 : i64} {
  func.func @_arap_tec(%arg0: i32, %arg1: i32, %arg2: memref<3x10000xf32, #tpu.memory_space<hbm>>, %arg3: memref<16x10000xi32, #tpu.memory_space<hbm>>, %arg4: memref<16x10000xf32, #tpu.memory_space<hbm>>, %arg5: memref<32x16xf32, #tpu.memory_space<hbm>>, %arg6: memref<10000xf32, #tpu.memory_space<vmem>>, %arg7: memref<10000xf32, #tpu.memory_space<vmem>>, %arg8: memref<10000xf32, #tpu.memory_space<vmem>>, %arg9: memref<16x320xi32, #tpu.memory_space<vmem>>, %arg10: memref<16x320xf32, #tpu.memory_space<vmem>>, %arg11: memref<16xf32, #tpu.memory_space<vmem>>, %arg12: memref<!tpu.dma_semaphore, #tpu.memory_space<semaphore_mem>>) attributes {dimension_semantics = [#tpu.dimension_semantics<core_parallel>, #tpu.dimension_semantics<subcore_parallel>], iteration_bounds = array<i64: 2, 16>, scalar_prefetch = 0 : i64, scratch_operands = 7 : i64, tpu.core_type = #tpu.core_type<sc_vector_subcore>, window_params = [{transform_indices = #map}, {transform_indices = #map}, {transform_indices = #map}, {transform_indices = #map}]} {
    %mul3A = arith.constant 2 : i32
    %mul3A_0 = arith.muli %arg1, %mul3A : i32
    %add3A = arith.addi %mul3A_0, %arg0 : i32
    %mul3A_1 = arith.constant 320 : i32
    %mul3A_2 = arith.muli %add3A, %mul3A_1 : i32
    %min3A = arith.constant 9680 : i32
    %min3A_3 = arith.minsi %mul3A_2, %min3A : i32
    %eq3A = arith.constant 31 : i32
    %eq3A_4 = arith.cmpi eq, %add3A, %eq3A : i32
    %jit3A = arith.constant 15 : i32
    %jit3A_5 = arith.constant 0 : i32
    %select_n3A = arith.select %eq3A_4, %jit3A, %jit3A_5 : i32
    %dma_start3A = arith.constant 0 : i32
    %dma_start3A_6 = arith.constant 0 : i32
    %dma_start3A_7 = tpu.memref_slice %arg2[%dma_start3A, %dma_start3A_6] : memref<3x10000xf32, #tpu.memory_space<hbm>> -> memref<1x10000xf32, #tpu.memory_space<hbm>>
    %dma_start3A_8 = tpu.memref_squeeze %dma_start3A_7 : memref<1x10000xf32, #tpu.memory_space<hbm>> -> memref<10000xf32, #tpu.memory_space<hbm>>
    %dma_start3A_9 = arith.constant 0 : i32
    %dma_start3A_10 = tpu.memref_slice %arg2[%dma_start3A, %dma_start3A_9] : memref<3x10000xf32, #tpu.memory_space<hbm>> -> memref<1x10000xf32, #tpu.memory_space<hbm>>
    %dma_start3A_11 = tpu.memref_squeeze %dma_start3A_10 : memref<1x10000xf32, #tpu.memory_space<hbm>> -> memref<10000xf32, #tpu.memory_space<hbm>>
    tpu.enqueue_dma source(%dma_start3A_11 : memref<10000xf32, #tpu.memory_space<hbm>>) target(%arg6 : memref<10000xf32, #tpu.memory_space<vmem>>) target_semaphore(%arg12 : memref<!tpu.dma_semaphore, #tpu.memory_space<semaphore_mem>>)
    %dma_start3A_12 = arith.constant 1 : i32
    %dma_start3A_13 = arith.constant 0 : i32
    %dma_start3A_14 = tpu.memref_slice %arg2[%dma_start3A_12, %dma_start3A_13] : memref<3x10000xf32, #tpu.memory_space<hbm>> -> memref<1x10000xf32, #tpu.memory_space<hbm>>
    %dma_start3A_15 = tpu.memref_squeeze %dma_start3A_14 : memref<1x10000xf32, #tpu.memory_space<hbm>> -> memref<10000xf32, #tpu.memory_space<hbm>>
    %dma_start3A_16 = arith.constant 0 : i32
    %dma_start3A_17 = tpu.memref_slice %arg2[%dma_start3A_12, %dma_start3A_16] : memref<3x10000xf32, #tpu.memory_space<hbm>> -> memref<1x10000xf32, #tpu.memory_space<hbm>>
    %dma_start3A_18 = tpu.memref_squeeze %dma_start3A_17 : memref<1x10000xf32, #tpu.memory_space<hbm>> -> memref<10000xf32, #tpu.memory_space<hbm>>
    tpu.enqueue_dma source(%dma_start3A_18 : memref<10000xf32, #tpu.memory_space<hbm>>) target(%arg7 : memref<10000xf32, #tpu.memory_space<vmem>>) target_semaphore(%arg12 : memref<!tpu.dma_semaphore, #tpu.memory_space<semaphore_mem>>)
    %dma_start3A_19 = arith.constant 2 : i32
    %dma_start3A_20 = arith.constant 0 : i32
    %dma_start3A_21 = tpu.memref_slice %arg2[%dma_start3A_19, %dma_start3A_20] : memref<3x10000xf32, #tpu.memory_space<hbm>> -> memref<1x10000xf32, #tpu.memory_space<hbm>>
    %dma_start3A_22 = tpu.memref_squeeze %dma_start3A_21 : memref<1x10000xf32, #tpu.memory_space<hbm>> -> memref<10000xf32, #tpu.memory_space<hbm>>
    %dma_start3A_23 = arith.constant 0 : i32
    %dma_start3A_24 = tpu.memref_slice %arg2[%dma_start3A_19, %dma_start3A_23] : memref<3x10000xf32, #tpu.memory_space<hbm>> -> memref<1x10000xf32, #tpu.memory_space<hbm>>
    %dma_start3A_25 = tpu.memref_squeeze %dma_start3A_24 : memref<1x10000xf32, #tpu.memory_space<hbm>> -> memref<10000xf32, #tpu.memory_space<hbm>>
    tpu.enqueue_dma source(%dma_start3A_25 : memref<10000xf32, #tpu.memory_space<hbm>>) target(%arg8 : memref<10000xf32, #tpu.memory_space<vmem>>) target_semaphore(%arg12 : memref<!tpu.dma_semaphore, #tpu.memory_space<semaphore_mem>>)
    %dma_start3A_26 = arith.constant 0 : i32
    %dma_start3A_27 = tpu.memref_slice %arg3[%dma_start3A_26, %min3A_3] : memref<16x10000xi32, #tpu.memory_space<hbm>> -> memref<16x320xi32, #tpu.memory_space<hbm>>
    %dma_start3A_28 = arith.constant 0 : i32
    %dma_start3A_29 = tpu.memref_slice %arg3[%dma_start3A_28, %min3A_3] : memref<16x10000xi32, #tpu.memory_space<hbm>> -> memref<16x320xi32, #tpu.memory_space<hbm>>
    tpu.enqueue_dma source(%dma_start3A_29 : memref<16x320xi32, #tpu.memory_space<hbm>>) target(%arg9 : memref<16x320xi32, #tpu.memory_space<vmem>>) target_semaphore(%arg12 : memref<!tpu.dma_semaphore, #tpu.memory_space<semaphore_mem>>)
    %dma_start3A_30 = arith.constant 0 : i32
    %dma_start3A_31 = tpu.memref_slice %arg4[%dma_start3A_30, %min3A_3] : memref<16x10000xf32, #tpu.memory_space<hbm>> -> memref<16x320xf32, #tpu.memory_space<hbm>>
    %dma_start3A_32 = arith.constant 0 : i32
    %dma_start3A_33 = tpu.memref_slice %arg4[%dma_start3A_32, %min3A_3] : memref<16x10000xf32, #tpu.memory_space<hbm>> -> memref<16x320xf32, #tpu.memory_space<hbm>>
    tpu.enqueue_dma source(%dma_start3A_33 : memref<16x320xf32, #tpu.memory_space<hbm>>) target(%arg10 : memref<16x320xf32, #tpu.memory_space<vmem>>) target_semaphore(%arg12 : memref<!tpu.dma_semaphore, #tpu.memory_space<semaphore_mem>>)
    %dma_wait3A = arith.constant 0 : i32
    %dma_wait3A_34 = arith.constant 0 : i32
    %dma_wait3A_35 = tpu.memref_slice %arg2[%dma_wait3A, %dma_wait3A_34] : memref<3x10000xf32, #tpu.memory_space<hbm>> -> memref<1x10000xf32, #tpu.memory_space<hbm>>
    %dma_wait3A_36 = tpu.memref_squeeze %dma_wait3A_35 : memref<1x10000xf32, #tpu.memory_space<hbm>> -> memref<10000xf32, #tpu.memory_space<hbm>>
    %dma_wait3A_37 = arith.constant 0 : i32
    %dma_wait3A_38 = tpu.memref_slice %arg2[%dma_wait3A, %dma_wait3A_37] : memref<3x10000xf32, #tpu.memory_space<hbm>> -> memref<1x10000xf32, #tpu.memory_space<hbm>>
    %dma_wait3A_39 = tpu.memref_squeeze %dma_wait3A_38 : memref<1x10000xf32, #tpu.memory_space<hbm>> -> memref<10000xf32, #tpu.memory_space<hbm>>
    tpu.wait_dma2 semaphore(%arg12 : memref<!tpu.dma_semaphore, #tpu.memory_space<semaphore_mem>>) src(%dma_wait3A_39 : memref<10000xf32, #tpu.memory_space<hbm>>) dst(%arg6 : memref<10000xf32, #tpu.memory_space<vmem>>)
    %dma_wait3A_40 = arith.constant 1 : i32
    %dma_wait3A_41 = arith.constant 0 : i32
    %dma_wait3A_42 = tpu.memref_slice %arg2[%dma_wait3A_40, %dma_wait3A_41] : memref<3x10000xf32, #tpu.memory_space<hbm>> -> memref<1x10000xf32, #tpu.memory_space<hbm>>
    %dma_wait3A_43 = tpu.memref_squeeze %dma_wait3A_42 : memref<1x10000xf32, #tpu.memory_space<hbm>> -> memref<10000xf32, #tpu.memory_space<hbm>>
    %dma_wait3A_44 = arith.constant 0 : i32
    %dma_wait3A_45 = tpu.memref_slice %arg2[%dma_wait3A_40, %dma_wait3A_44] : memref<3x10000xf32, #tpu.memory_space<hbm>> -> memref<1x10000xf32, #tpu.memory_space<hbm>>
    %dma_wait3A_46 = tpu.memref_squeeze %dma_wait3A_45 : memref<1x10000xf32, #tpu.memory_space<hbm>> -> memref<10000xf32, #tpu.memory_space<hbm>>
    tpu.wait_dma2 semaphore(%arg12 : memref<!tpu.dma_semaphore, #tpu.memory_space<semaphore_mem>>) src(%dma_wait3A_46 : memref<10000xf32, #tpu.memory_space<hbm>>) dst(%arg7 : memref<10000xf32, #tpu.memory_space<vmem>>)
    %dma_wait3A_47 = arith.constant 2 : i32
    %dma_wait3A_48 = arith.constant 0 : i32
    %dma_wait3A_49 = tpu.memref_slice %arg2[%dma_wait3A_47, %dma_wait3A_48] : memref<3x10000xf32, #tpu.memory_space<hbm>> -> memref<1x10000xf32, #tpu.memory_space<hbm>>
    %dma_wait3A_50 = tpu.memref_squeeze %dma_wait3A_49 : memref<1x10000xf32, #tpu.memory_space<hbm>> -> memref<10000xf32, #tpu.memory_space<hbm>>
    %dma_wait3A_51 = arith.constant 0 : i32
    %dma_wait3A_52 = tpu.memref_slice %arg2[%dma_wait3A_47, %dma_wait3A_51] : memref<3x10000xf32, #tpu.memory_space<hbm>> -> memref<1x10000xf32, #tpu.memory_space<hbm>>
    %dma_wait3A_53 = tpu.memref_squeeze %dma_wait3A_52 : memref<1x10000xf32, #tpu.memory_space<hbm>> -> memref<10000xf32, #tpu.memory_space<hbm>>
    tpu.wait_dma2 semaphore(%arg12 : memref<!tpu.dma_semaphore, #tpu.memory_space<semaphore_mem>>) src(%dma_wait3A_53 : memref<10000xf32, #tpu.memory_space<hbm>>) dst(%arg8 : memref<10000xf32, #tpu.memory_space<vmem>>)
    %dma_wait3A_54 = arith.constant 0 : i32
    %dma_wait3A_55 = tpu.memref_slice %arg3[%dma_wait3A_54, %min3A_3] : memref<16x10000xi32, #tpu.memory_space<hbm>> -> memref<16x320xi32, #tpu.memory_space<hbm>>
    %dma_wait3A_56 = arith.constant 0 : i32
    %dma_wait3A_57 = tpu.memref_slice %arg3[%dma_wait3A_56, %min3A_3] : memref<16x10000xi32, #tpu.memory_space<hbm>> -> memref<16x320xi32, #tpu.memory_space<hbm>>
    tpu.wait_dma2 semaphore(%arg12 : memref<!tpu.dma_semaphore, #tpu.memory_space<semaphore_mem>>) src(%dma_wait3A_57 : memref<16x320xi32, #tpu.memory_space<hbm>>) dst(%arg9 : memref<16x320xi32, #tpu.memory_space<vmem>>)
    %dma_wait3A_58 = arith.constant 0 : i32
    %dma_wait3A_59 = tpu.memref_slice %arg4[%dma_wait3A_58, %min3A_3] : memref<16x10000xf32, #tpu.memory_space<hbm>> -> memref<16x320xf32, #tpu.memory_space<hbm>>
    %dma_wait3A_60 = arith.constant 0 : i32
    %dma_wait3A_61 = tpu.memref_slice %arg4[%dma_wait3A_60, %min3A_3] : memref<16x10000xf32, #tpu.memory_space<hbm>> -> memref<16x320xf32, #tpu.memory_space<hbm>>
    tpu.wait_dma2 semaphore(%arg12 : memref<!tpu.dma_semaphore, #tpu.memory_space<semaphore_mem>>) src(%dma_wait3A_61 : memref<16x320xf32, #tpu.memory_space<hbm>>) dst(%arg10 : memref<16x320xf32, #tpu.memory_space<vmem>>)
    %broadcast_in_dim3A = arith.constant 0.000000e+00 : f32
    %broadcast_in_dim3A_62 = vector.broadcast %broadcast_in_dim3A : f32 to vector<16xf32>
    %parallel_loop3A = arith.constant 20 : i32
    %parallel_loop3A_63 = arith.constant 1 : i32
    %parallel_loop3A_64:2 = scf.for %parallel_loop3A_67 = %select_n3A to %parallel_loop3A step %parallel_loop3A_63 iter_args(%parallel_loop3A_68 = %broadcast_in_dim3A_62, %parallel_loop3A_69 = %broadcast_in_dim3A_62) -> (vector<16xf32>, vector<16xf32>)  : i32 {
      %parallel_loop3A_70 = arith.constant 16 : i32
      %parallel_loop3A_71 = arith.muli %parallel_loop3A_67, %parallel_loop3A_70 : i32
      %parallel_loop3A_72 = arith.addi %min3A_3, %parallel_loop3A_71 : i32
      %parallel_loop3A_73 = arith.index_cast %parallel_loop3A_72 : i32 to index
      %parallel_loop3A_74 = tpu.vector_load %arg6[%parallel_loop3A_73] {strides = array<i32>} : memref<10000xf32, #tpu.memory_space<vmem>>, vector<16xf32>,
      %parallel_loop3A_75 = arith.addi %min3A_3, %parallel_loop3A_71 : i32
      %parallel_loop3A_76 = arith.index_cast %parallel_loop3A_75 : i32 to index
      %parallel_loop3A_77 = tpu.vector_load %arg7[%parallel_loop3A_76] {strides = array<i32>} : memref<10000xf32, #tpu.memory_space<vmem>>, vector<16xf32>,
      %parallel_loop3A_78 = arith.addi %min3A_3, %parallel_loop3A_71 : i32
      %parallel_loop3A_79 = arith.index_cast %parallel_loop3A_78 : i32 to index
      %parallel_loop3A_80 = tpu.vector_load %arg8[%parallel_loop3A_79] {strides = array<i32>} : memref<10000xf32, #tpu.memory_space<vmem>>, vector<16xf32>,
      %parallel_loop3A_81 = arith.constant 0 : i32
      %parallel_loop3A_82 = arith.index_cast %parallel_loop3A_81 : i32 to index
      %parallel_loop3A_83 = arith.index_cast %parallel_loop3A_71 : i32 to index
      %parallel_loop3A_84 = tpu.vector_load %arg9[%parallel_loop3A_82, %parallel_loop3A_83] {strides = array<i32>} : memref<16x320xi32, #tpu.memory_space<vmem>>, vector<16xi32>,
      %parallel_loop3A_85 = tpu.vector_load_idx %arg6[%parallel_loop3A_84] : memref<10000xf32, #tpu.memory_space<vmem>>[vector<16xi32>], vector<16xf32>,
      %parallel_loop3A_86 = tpu.vector_load_idx %arg7[%parallel_loop3A_84] : memref<10000xf32, #tpu.memory_space<vmem>>[vector<16xi32>], vector<16xf32>,
      %parallel_loop3A_87 = tpu.vector_load_idx %arg8[%parallel_loop3A_84] : memref<10000xf32, #tpu.memory_space<vmem>>[vector<16xi32>], vector<16xf32>,
      %parallel_loop3A_88 = arith.subf %parallel_loop3A_74, %parallel_loop3A_85 : vector<16xf32>
      %parallel_loop3A_89 = arith.subf %parallel_loop3A_77, %parallel_loop3A_86 : vector<16xf32>
      %parallel_loop3A_90 = arith.subf %parallel_loop3A_80, %parallel_loop3A_87 : vector<16xf32>
      %parallel_loop3A_91 = arith.mulf %parallel_loop3A_88, %parallel_loop3A_88 : vector<16xf32>
      %parallel_loop3A_92 = arith.mulf %parallel_loop3A_89, %parallel_loop3A_89 : vector<16xf32>
      %parallel_loop3A_93 = arith.addf %parallel_loop3A_91, %parallel_loop3A_92 : vector<16xf32>
      %parallel_loop3A_94 = arith.mulf %parallel_loop3A_90, %parallel_loop3A_90 : vector<16xf32>
      %parallel_loop3A_95 = arith.addf %parallel_loop3A_93, %parallel_loop3A_94 : vector<16xf32>
      %parallel_loop3A_96 = arith.constant 0 : i32
      %parallel_loop3A_97 = arith.index_cast %parallel_loop3A_96 : i32 to index
      %parallel_loop3A_98 = arith.index_cast %parallel_loop3A_71 : i32 to index
      %parallel_loop3A_99 = tpu.vector_load %arg10[%parallel_loop3A_97, %parallel_loop3A_98] {strides = array<i32>} : memref<16x320xf32, #tpu.memory_space<vmem>>, vector<16xf32>,
      %parallel_loop3A_100 = arith.subf %parallel_loop3A_95, %parallel_loop3A_99 : vector<16xf32>
      %parallel_loop3A_101 = math.absf %parallel_loop3A_100 : vector<16xf32>
      %parallel_loop3A_102 = arith.addf %parallel_loop3A_68, %parallel_loop3A_101 : vector<16xf32>
      %parallel_loop3A_103 = arith.constant 1 : i32
      %parallel_loop3A_104 = arith.index_cast %parallel_loop3A_103 : i32 to index
      %parallel_loop3A_105 = arith.index_cast %parallel_loop3A_71 : i32 to index
      %parallel_loop3A_106 = tpu.vector_load %arg9[%parallel_loop3A_104, %parallel_loop3A_105] {strides = array<i32>} : memref<16x320xi32, #tpu.memory_space<vmem>>, vector<16xi32>,
      %parallel_loop3A_107 = tpu.vector_load_idx %arg6[%parallel_loop3A_106] : memref<10000xf32, #tpu.memory_space<vmem>>[vector<16xi32>], vector<16xf32>,
      %parallel_loop3A_108 = tpu.vector_load_idx %arg7[%parallel_loop3A_106] : memref<10000xf32, #tpu.memory_space<vmem>>[vector<16xi32>], vector<16xf32>,
      %parallel_loop3A_109 = tpu.vector_load_idx %arg8[%parallel_loop3A_106] : memref<10000xf32, #tpu.memory_space<vmem>>[vector<16xi32>], vector<16xf32>,
      %parallel_loop3A_110 = arith.subf %parallel_loop3A_74, %parallel_loop3A_107 : vector<16xf32>
      %parallel_loop3A_111 = arith.subf %parallel_loop3A_77, %parallel_loop3A_108 : vector<16xf32>
      %parallel_loop3A_112 = arith.subf %parallel_loop3A_80, %parallel_loop3A_109 : vector<16xf32>
      %parallel_loop3A_113 = arith.mulf %parallel_loop3A_110, %parallel_loop3A_110 : vector<16xf32>
      %parallel_loop3A_114 = arith.mulf %parallel_loop3A_111, %parallel_loop3A_111 : vector<16xf32>
      %parallel_loop3A_115 = arith.addf %parallel_loop3A_113, %parallel_loop3A_114 : vector<16xf32>
      %parallel_loop3A_116 = arith.mulf %parallel_loop3A_112, %parallel_loop3A_112 : vector<16xf32>
      %parallel_loop3A_117 = arith.addf %parallel_loop3A_115, %parallel_loop3A_116 : vector<16xf32>
      %parallel_loop3A_118 = arith.constant 1 : i32
      %parallel_loop3A_119 = arith.index_cast %parallel_loop3A_118 : i32 to index
      %parallel_loop3A_120 = arith.index_cast %parallel_loop3A_71 : i32 to index
      %parallel_loop3A_121 = tpu.vector_load %arg10[%parallel_loop3A_119, %parallel_loop3A_120] {strides = array<i32>} : memref<16x320xf32, #tpu.memory_space<vmem>>, vector<16xf32>,
      %parallel_loop3A_122 = arith.subf %parallel_loop3A_117, %parallel_loop3A_121 : vector<16xf32>
      %parallel_loop3A_123 = math.absf %parallel_loop3A_122 : vector<16xf32>
      %parallel_loop3A_124 = arith.addf %parallel_loop3A_69, %parallel_loop3A_123 : vector<16xf32>
      %parallel_loop3A_125 = arith.constant 2 : i32
      %parallel_loop3A_126 = arith.index_cast %parallel_loop3A_125 : i32 to index
      %parallel_loop3A_127 = arith.index_cast %parallel_loop3A_71 : i32 to index
      %parallel_loop3A_128 = tpu.vector_load %arg9[%parallel_loop3A_126, %parallel_loop3A_127] {strides = array<i32>} : memref<16x320xi32, #tpu.memory_space<vmem>>, vector<16xi32>,
      %parallel_loop3A_129 = tpu.vector_load_idx %arg6[%parallel_loop3A_128] : memref<10000xf32, #tpu.memory_space<vmem>>[vector<16xi32>], vector<16xf32>,
      %parallel_loop3A_130 = tpu.vector_load_idx %arg7[%parallel_loop3A_128] : memref<10000xf32, #tpu.memory_space<vmem>>[vector<16xi32>], vector<16xf32>,
      %parallel_loop3A_131 = tpu.vector_load_idx %arg8[%parallel_loop3A_128] : memref<10000xf32, #tpu.memory_space<vmem>>[vector<16xi32>], vector<16xf32>,
      %parallel_loop3A_132 = arith.subf %parallel_loop3A_74, %parallel_loop3A_129 : vector<16xf32>
      %parallel_loop3A_133 = arith.subf %parallel_loop3A_77, %parallel_loop3A_130 : vector<16xf32>
      %parallel_loop3A_134 = arith.subf %parallel_loop3A_80, %parallel_loop3A_131 : vector<16xf32>
      %parallel_loop3A_135 = arith.mulf %parallel_loop3A_132, %parallel_loop3A_132 : vector<16xf32>
      %parallel_loop3A_136 = arith.mulf %parallel_loop3A_133, %parallel_loop3A_133 : vector<16xf32>
      %parallel_loop3A_137 = arith.addf %parallel_loop3A_135, %parallel_loop3A_136 : vector<16xf32>
      %parallel_loop3A_138 = arith.mulf %parallel_loop3A_134, %parallel_loop3A_134 : vector<16xf32>
      %parallel_loop3A_139 = arith.addf %parallel_loop3A_137, %parallel_loop3A_138 : vector<16xf32>
      %parallel_loop3A_140 = arith.constant 2 : i32
      %parallel_loop3A_141 = arith.index_cast %parallel_loop3A_140 : i32 to index
      %parallel_loop3A_142 = arith.index_cast %parallel_loop3A_71 : i32 to index
      %parallel_loop3A_143 = tpu.vector_load %arg10[%parallel_loop3A_141, %parallel_loop3A_142] {strides = array<i32>} : memref<16x320xf32, #tpu.memory_space<vmem>>, vector<16xf32>,
      %parallel_loop3A_144 = arith.subf %parallel_loop3A_139, %parallel_loop3A_143 : vector<16xf32>
      %parallel_loop3A_145 = math.absf %parallel_loop3A_144 : vector<16xf32>
      %parallel_loop3A_146 = arith.addf %parallel_loop3A_102, %parallel_loop3A_145 : vector<16xf32>
      %parallel_loop3A_147 = arith.constant 3 : i32
      %parallel_loop3A_148 = arith.index_cast %parallel_loop3A_147 : i32 to index
      %parallel_loop3A_149 = arith.index_cast %parallel_loop3A_71 : i32 to index
      %parallel_loop3A_150 = tpu.vector_load %arg9[%parallel_loop3A_148, %parallel_loop3A_149] {strides = array<i32>} : memref<16x320xi32, #tpu.memory_space<vmem>>, vector<16xi32>,
      %parallel_loop3A_151 = tpu.vector_load_idx %arg6[%parallel_loop3A_150] : memref<10000xf32, #tpu.memory_space<vmem>>[vector<16xi32>], vector<16xf32>,
      %parallel_loop3A_152 = tpu.vector_load_idx %arg7[%parallel_loop3A_150] : memref<10000xf32, #tpu.memory_space<vmem>>[vector<16xi32>], vector<16xf32>,
      %parallel_loop3A_153 = tpu.vector_load_idx %arg8[%parallel_loop3A_150] : memref<10000xf32, #tpu.memory_space<vmem>>[vector<16xi32>], vector<16xf32>,
      %parallel_loop3A_154 = arith.subf %parallel_loop3A_74, %parallel_loop3A_151 : vector<16xf32>
      %parallel_loop3A_155 = arith.subf %parallel_loop3A_77, %parallel_loop3A_152 : vector<16xf32>
      %parallel_loop3A_156 = arith.subf %parallel_loop3A_80, %parallel_loop3A_153 : vector<16xf32>
      %parallel_loop3A_157 = arith.mulf %parallel_loop3A_154, %parallel_loop3A_154 : vector<16xf32>
      %parallel_loop3A_158 = arith.mulf %parallel_loop3A_155, %parallel_loop3A_155 : vector<16xf32>
      %parallel_loop3A_159 = arith.addf %parallel_loop3A_157, %parallel_loop3A_158 : vector<16xf32>
      %parallel_loop3A_160 = arith.mulf %parallel_loop3A_156, %parallel_loop3A_156 : vector<16xf32>
      %parallel_loop3A_161 = arith.addf %parallel_loop3A_159, %parallel_loop3A_160 : vector<16xf32>
      %parallel_loop3A_162 = arith.constant 3 : i32
      %parallel_loop3A_163 = arith.index_cast %parallel_loop3A_162 : i32 to index
      %parallel_loop3A_164 = arith.index_cast %parallel_loop3A_71 : i32 to index
      %parallel_loop3A_165 = tpu.vector_load %arg10[%parallel_loop3A_163, %parallel_loop3A_164] {strides = array<i32>} : memref<16x320xf32, #tpu.memory_space<vmem>>, vector<16xf32>,
      %parallel_loop3A_166 = arith.subf %parallel_loop3A_161, %parallel_loop3A_165 : vector<16xf32>
      %parallel_loop3A_167 = math.absf %parallel_loop3A_166 : vector<16xf32>
      %parallel_loop3A_168 = arith.addf %parallel_loop3A_124, %parallel_loop3A_167 : vector<16xf32>
      %parallel_loop3A_169 = arith.constant 4 : i32
      %parallel_loop3A_170 = arith.index_cast %parallel_loop3A_169 : i32 to index
      %parallel_loop3A_171 = arith.index_cast %parallel_loop3A_71 : i32 to index
      %parallel_loop3A_172 = tpu.vector_load %arg9[%parallel_loop3A_170, %parallel_loop3A_171] {strides = array<i32>} : memref<16x320xi32, #tpu.memory_space<vmem>>, vector<16xi32>,
      %parallel_loop3A_173 = tpu.vector_load_idx %arg6[%parallel_loop3A_172] : memref<10000xf32, #tpu.memory_space<vmem>>[vector<16xi32>], vector<16xf32>,
      %parallel_loop3A_174 = tpu.vector_load_idx %arg7[%parallel_loop3A_172] : memref<10000xf32, #tpu.memory_space<vmem>>[vector<16xi32>], vector<16xf32>,
      %parallel_loop3A_175 = tpu.vector_load_idx %arg8[%parallel_loop3A_172] : memref<10000xf32, #tpu.memory_space<vmem>>[vector<16xi32>], vector<16xf32>,
      %parallel_loop3A_176 = arith.subf %parallel_loop3A_74, %parallel_loop3A_173 : vector<16xf32>
      %parallel_loop3A_177 = arith.subf %parallel_loop3A_77, %parallel_loop3A_174 : vector<16xf32>
      %parallel_loop3A_178 = arith.subf %parallel_loop3A_80, %parallel_loop3A_175 : vector<16xf32>
      %parallel_loop3A_179 = arith.mulf %parallel_loop3A_176, %parallel_loop3A_176 : vector<16xf32>
      %parallel_loop3A_180 = arith.mulf %parallel_loop3A_177, %parallel_loop3A_177 : vector<16xf32>
      %parallel_loop3A_181 = arith.addf %parallel_loop3A_179, %parallel_loop3A_180 : vector<16xf32>
      %parallel_loop3A_182 = arith.mulf %parallel_loop3A_178, %parallel_loop3A_178 : vector<16xf32>
      %parallel_loop3A_183 = arith.addf %parallel_loop3A_181, %parallel_loop3A_182 : vector<16xf32>
      %parallel_loop3A_184 = arith.constant 4 : i32
      %parallel_loop3A_185 = arith.index_cast %parallel_loop3A_184 : i32 to index
      %parallel_loop3A_186 = arith.index_cast %parallel_loop3A_71 : i32 to index
      %parallel_loop3A_187 = tpu.vector_load %arg10[%parallel_loop3A_185, %parallel_loop3A_186] {strides = array<i32>} : memref<16x320xf32, #tpu.memory_space<vmem>>, vector<16xf32>,
      %parallel_loop3A_188 = arith.subf %parallel_loop3A_183, %parallel_loop3A_187 : vector<16xf32>
      %parallel_loop3A_189 = math.absf %parallel_loop3A_188 : vector<16xf32>
      %parallel_loop3A_190 = arith.addf %parallel_loop3A_146, %parallel_loop3A_189 : vector<16xf32>
      %parallel_loop3A_191 = arith.constant 5 : i32
      %parallel_loop3A_192 = arith.index_cast %parallel_loop3A_191 : i32 to index
      %parallel_loop3A_193 = arith.index_cast %parallel_loop3A_71 : i32 to index
      %parallel_loop3A_194 = tpu.vector_load %arg9[%parallel_loop3A_192, %parallel_loop3A_193] {strides = array<i32>} : memref<16x320xi32, #tpu.memory_space<vmem>>, vector<16xi32>,
      %parallel_loop3A_195 = tpu.vector_load_idx %arg6[%parallel_loop3A_194] : memref<10000xf32, #tpu.memory_space<vmem>>[vector<16xi32>], vector<16xf32>,
      %parallel_loop3A_196 = tpu.vector_load_idx %arg7[%parallel_loop3A_194] : memref<10000xf32, #tpu.memory_space<vmem>>[vector<16xi32>], vector<16xf32>,
      %parallel_loop3A_197 = tpu.vector_load_idx %arg8[%parallel_loop3A_194] : memref<10000xf32, #tpu.memory_space<vmem>>[vector<16xi32>], vector<16xf32>,
      %parallel_loop3A_198 = arith.subf %parallel_loop3A_74, %parallel_loop3A_195 : vector<16xf32>
      %parallel_loop3A_199 = arith.subf %parallel_loop3A_77, %parallel_loop3A_196 : vector<16xf32>
      %parallel_loop3A_200 = arith.subf %parallel_loop3A_80, %parallel_loop3A_197 : vector<16xf32>
      %parallel_loop3A_201 = arith.mulf %parallel_loop3A_198, %parallel_loop3A_198 : vector<16xf32>
      %parallel_loop3A_202 = arith.mulf %parallel_loop3A_199, %parallel_loop3A_199 : vector<16xf32>
      %parallel_loop3A_203 = arith.addf %parallel_loop3A_201, %parallel_loop3A_202 : vector<16xf32>
      %parallel_loop3A_204 = arith.mulf %parallel_loop3A_200, %parallel_loop3A_200 : vector<16xf32>
      %parallel_loop3A_205 = arith.addf %parallel_loop3A_203, %parallel_loop3A_204 : vector<16xf32>
      %parallel_loop3A_206 = arith.constant 5 : i32
      %parallel_loop3A_207 = arith.index_cast %parallel_loop3A_206 : i32 to index
      %parallel_loop3A_208 = arith.index_cast %parallel_loop3A_71 : i32 to index
      %parallel_loop3A_209 = tpu.vector_load %arg10[%parallel_loop3A_207, %parallel_loop3A_208] {strides = array<i32>} : memref<16x320xf32, #tpu.memory_space<vmem>>, vector<16xf32>,
      %parallel_loop3A_210 = arith.subf %parallel_loop3A_205, %parallel_loop3A_209 : vector<16xf32>
      %parallel_loop3A_211 = math.absf %parallel_loop3A_210 : vector<16xf32>
      %parallel_loop3A_212 = arith.addf %parallel_loop3A_168, %parallel_loop3A_211 : vector<16xf32>
      %parallel_loop3A_213 = arith.constant 6 : i32
      %parallel_loop3A_214 = arith.index_cast %parallel_loop3A_213 : i32 to index
      %parallel_loop3A_215 = arith.index_cast %parallel_loop3A_71 : i32 to index
      %parallel_loop3A_216 = tpu.vector_load %arg9[%parallel_loop3A_214, %parallel_loop3A_215] {strides = array<i32>} : memref<16x320xi32, #tpu.memory_space<vmem>>, vector<16xi32>,
      %parallel_loop3A_217 = tpu.vector_load_idx %arg6[%parallel_loop3A_216] : memref<10000xf32, #tpu.memory_space<vmem>>[vector<16xi32>], vector<16xf32>,
      %parallel_loop3A_218 = tpu.vector_load_idx %arg7[%parallel_loop3A_216] : memref<10000xf32, #tpu.memory_space<vmem>>[vector<16xi32>], vector<16xf32>,
      %parallel_loop3A_219 = tpu.vector_load_idx %arg8[%parallel_loop3A_216] : memref<10000xf32, #tpu.memory_space<vmem>>[vector<16xi32>], vector<16xf32>,
      %parallel_loop3A_220 = arith.subf %parallel_loop3A_74, %parallel_loop3A_217 : vector<16xf32>
      %parallel_loop3A_221 = arith.subf %parallel_loop3A_77, %parallel_loop3A_218 : vector<16xf32>
      %parallel_loop3A_222 = arith.subf %parallel_loop3A_80, %parallel_loop3A_219 : vector<16xf32>
      %parallel_loop3A_223 = arith.mulf %parallel_loop3A_220, %parallel_loop3A_220 : vector<16xf32>
      %parallel_loop3A_224 = arith.mulf %parallel_loop3A_221, %parallel_loop3A_221 : vector<16xf32>
      %parallel_loop3A_225 = arith.addf %parallel_loop3A_223, %parallel_loop3A_224 : vector<16xf32>
      %parallel_loop3A_226 = arith.mulf %parallel_loop3A_222, %parallel_loop3A_222 : vector<16xf32>
      %parallel_loop3A_227 = arith.addf %parallel_loop3A_225, %parallel_loop3A_226 : vector<16xf32>
      %parallel_loop3A_228 = arith.constant 6 : i32
      %parallel_loop3A_229 = arith.index_cast %parallel_loop3A_228 : i32 to index
      %parallel_loop3A_230 = arith.index_cast %parallel_loop3A_71 : i32 to index
      %parallel_loop3A_231 = tpu.vector_load %arg10[%parallel_loop3A_229, %parallel_loop3A_230] {strides = array<i32>} : memref<16x320xf32, #tpu.memory_space<vmem>>, vector<16xf32>,
      %parallel_loop3A_232 = arith.subf %parallel_loop3A_227, %parallel_loop3A_231 : vector<16xf32>
      %parallel_loop3A_233 = math.absf %parallel_loop3A_232 : vector<16xf32>
      %parallel_loop3A_234 = arith.addf %parallel_loop3A_190, %parallel_loop3A_233 : vector<16xf32>
      %parallel_loop3A_235 = arith.constant 7 : i32
      %parallel_loop3A_236 = arith.index_cast %parallel_loop3A_235 : i32 to index
      %parallel_loop3A_237 = arith.index_cast %parallel_loop3A_71 : i32 to index
      %parallel_loop3A_238 = tpu.vector_load %arg9[%parallel_loop3A_236, %parallel_loop3A_237] {strides = array<i32>} : memref<16x320xi32, #tpu.memory_space<vmem>>, vector<16xi32>,
      %parallel_loop3A_239 = tpu.vector_load_idx %arg6[%parallel_loop3A_238] : memref<10000xf32, #tpu.memory_space<vmem>>[vector<16xi32>], vector<16xf32>,
      %parallel_loop3A_240 = tpu.vector_load_idx %arg7[%parallel_loop3A_238] : memref<10000xf32, #tpu.memory_space<vmem>>[vector<16xi32>], vector<16xf32>,
      %parallel_loop3A_241 = tpu.vector_load_idx %arg8[%parallel_loop3A_238] : memref<10000xf32, #tpu.memory_space<vmem>>[vector<16xi32>], vector<16xf32>,
      %parallel_loop3A_242 = arith.subf %parallel_loop3A_74, %parallel_loop3A_239 : vector<16xf32>
      %parallel_loop3A_243 = arith.subf %parallel_loop3A_77, %parallel_loop3A_240 : vector<16xf32>
      %parallel_loop3A_244 = arith.subf %parallel_loop3A_80, %parallel_loop3A_241 : vector<16xf32>
      %parallel_loop3A_245 = arith.mulf %parallel_loop3A_242, %parallel_loop3A_242 : vector<16xf32>
      %parallel_loop3A_246 = arith.mulf %parallel_loop3A_243, %parallel_loop3A_243 : vector<16xf32>
      %parallel_loop3A_247 = arith.addf %parallel_loop3A_245, %parallel_loop3A_246 : vector<16xf32>
      %parallel_loop3A_248 = arith.mulf %parallel_loop3A_244, %parallel_loop3A_244 : vector<16xf32>
      %parallel_loop3A_249 = arith.addf %parallel_loop3A_247, %parallel_loop3A_248 : vector<16xf32>
      %parallel_loop3A_250 = arith.constant 7 : i32
      %parallel_loop3A_251 = arith.index_cast %parallel_loop3A_250 : i32 to index
      %parallel_loop3A_252 = arith.index_cast %parallel_loop3A_71 : i32 to index
      %parallel_loop3A_253 = tpu.vector_load %arg10[%parallel_loop3A_251, %parallel_loop3A_252] {strides = array<i32>} : memref<16x320xf32, #tpu.memory_space<vmem>>, vector<16xf32>,
      %parallel_loop3A_254 = arith.subf %parallel_loop3A_249, %parallel_loop3A_253 : vector<16xf32>
      %parallel_loop3A_255 = math.absf %parallel_loop3A_254 : vector<16xf32>
      %parallel_loop3A_256 = arith.addf %parallel_loop3A_212, %parallel_loop3A_255 : vector<16xf32>
      %parallel_loop3A_257 = arith.constant 8 : i32
      %parallel_loop3A_258 = arith.index_cast %parallel_loop3A_257 : i32 to index
      %parallel_loop3A_259 = arith.index_cast %parallel_loop3A_71 : i32 to index
      %parallel_loop3A_260 = tpu.vector_load %arg9[%parallel_loop3A_258, %parallel_loop3A_259] {strides = array<i32>} : memref<16x320xi32, #tpu.memory_space<vmem>>, vector<16xi32>,
      %parallel_loop3A_261 = tpu.vector_load_idx %arg6[%parallel_loop3A_260] : memref<10000xf32, #tpu.memory_space<vmem>>[vector<16xi32>], vector<16xf32>,
      %parallel_loop3A_262 = tpu.vector_load_idx %arg7[%parallel_loop3A_260] : memref<10000xf32, #tpu.memory_space<vmem>>[vector<16xi32>], vector<16xf32>,
      %parallel_loop3A_263 = tpu.vector_load_idx %arg8[%parallel_loop3A_260] : memref<10000xf32, #tpu.memory_space<vmem>>[vector<16xi32>], vector<16xf32>,
      %parallel_loop3A_264 = arith.subf %parallel_loop3A_74, %parallel_loop3A_261 : vector<16xf32>
      %parallel_loop3A_265 = arith.subf %parallel_loop3A_77, %parallel_loop3A_262 : vector<16xf32>
      %parallel_loop3A_266 = arith.subf %parallel_loop3A_80, %parallel_loop3A_263 : vector<16xf32>
      %parallel_loop3A_267 = arith.mulf %parallel_loop3A_264, %parallel_loop3A_264 : vector<16xf32>
      %parallel_loop3A_268 = arith.mulf %parallel_loop3A_265, %parallel_loop3A_265 : vector<16xf32>
      %parallel_loop3A_269 = arith.addf %parallel_loop3A_267, %parallel_loop3A_268 : vector<16xf32>
      %parallel_loop3A_270 = arith.mulf %parallel_loop3A_266, %parallel_loop3A_266 : vector<16xf32>
      %parallel_loop3A_271 = arith.addf %parallel_loop3A_269, %parallel_loop3A_270 : vector<16xf32>
      %parallel_loop3A_272 = arith.constant 8 : i32
      %parallel_loop3A_273 = arith.index_cast %parallel_loop3A_272 : i32 to index
      %parallel_loop3A_274 = arith.index_cast %parallel_loop3A_71 : i32 to index
      %parallel_loop3A_275 = tpu.vector_load %arg10[%parallel_loop3A_273, %parallel_loop3A_274] {strides = array<i32>} : memref<16x320xf32, #tpu.memory_space<vmem>>, vector<16xf32>,
      %parallel_loop3A_276 = arith.subf %parallel_loop3A_271, %parallel_loop3A_275 : vector<16xf32>
      %parallel_loop3A_277 = math.absf %parallel_loop3A_276 : vector<16xf32>
      %parallel_loop3A_278 = arith.addf %parallel_loop3A_234, %parallel_loop3A_277 : vector<16xf32>
      %parallel_loop3A_279 = arith.constant 9 : i32
      %parallel_loop3A_280 = arith.index_cast %parallel_loop3A_279 : i32 to index
      %parallel_loop3A_281 = arith.index_cast %parallel_loop3A_71 : i32 to index
      %parallel_loop3A_282 = tpu.vector_load %arg9[%parallel_loop3A_280, %parallel_loop3A_281] {strides = array<i32>} : memref<16x320xi32, #tpu.memory_space<vmem>>, vector<16xi32>,
      %parallel_loop3A_283 = tpu.vector_load_idx %arg6[%parallel_loop3A_282] : memref<10000xf32, #tpu.memory_space<vmem>>[vector<16xi32>], vector<16xf32>,
      %parallel_loop3A_284 = tpu.vector_load_idx %arg7[%parallel_loop3A_282] : memref<10000xf32, #tpu.memory_space<vmem>>[vector<16xi32>], vector<16xf32>,
      %parallel_loop3A_285 = tpu.vector_load_idx %arg8[%parallel_loop3A_282] : memref<10000xf32, #tpu.memory_space<vmem>>[vector<16xi32>], vector<16xf32>,
      %parallel_loop3A_286 = arith.subf %parallel_loop3A_74, %parallel_loop3A_283 : vector<16xf32>
      %parallel_loop3A_287 = arith.subf %parallel_loop3A_77, %parallel_loop3A_284 : vector<16xf32>
      %parallel_loop3A_288 = arith.subf %parallel_loop3A_80, %parallel_loop3A_285 : vector<16xf32>
      %parallel_loop3A_289 = arith.mulf %parallel_loop3A_286, %parallel_loop3A_286 : vector<16xf32>
      %parallel_loop3A_290 = arith.mulf %parallel_loop3A_287, %parallel_loop3A_287 : vector<16xf32>
      %parallel_loop3A_291 = arith.addf %parallel_loop3A_289, %parallel_loop3A_290 : vector<16xf32>
      %parallel_loop3A_292 = arith.mulf %parallel_loop3A_288, %parallel_loop3A_288 : vector<16xf32>
      %parallel_loop3A_293 = arith.addf %parallel_loop3A_291, %parallel_loop3A_292 : vector<16xf32>
      %parallel_loop3A_294 = arith.constant 9 : i32
      %parallel_loop3A_295 = arith.index_cast %parallel_loop3A_294 : i32 to index
      %parallel_loop3A_296 = arith.index_cast %parallel_loop3A_71 : i32 to index
      %parallel_loop3A_297 = tpu.vector_load %arg10[%parallel_loop3A_295, %parallel_loop3A_296] {strides = array<i32>} : memref<16x320xf32, #tpu.memory_space<vmem>>, vector<16xf32>,
      %parallel_loop3A_298 = arith.subf %parallel_loop3A_293, %parallel_loop3A_297 : vector<16xf32>
      %parallel_loop3A_299 = math.absf %parallel_loop3A_298 : vector<16xf32>
      %parallel_loop3A_300 = arith.addf %parallel_loop3A_256, %parallel_loop3A_299 : vector<16xf32>
      %parallel_loop3A_301 = arith.constant 10 : i32
      %parallel_loop3A_302 = arith.index_cast %parallel_loop3A_301 : i32 to index
      %parallel_loop3A_303 = arith.index_cast %parallel_loop3A_71 : i32 to index
      %parallel_loop3A_304 = tpu.vector_load %arg9[%parallel_loop3A_302, %parallel_loop3A_303] {strides = array<i32>} : memref<16x320xi32, #tpu.memory_space<vmem>>, vector<16xi32>,
      %parallel_loop3A_305 = tpu.vector_load_idx %arg6[%parallel_loop3A_304] : memref<10000xf32, #tpu.memory_space<vmem>>[vector<16xi32>], vector<16xf32>,
      %parallel_loop3A_306 = tpu.vector_load_idx %arg7[%parallel_loop3A_304] : memref<10000xf32, #tpu.memory_space<vmem>>[vector<16xi32>], vector<16xf32>,
      %parallel_loop3A_307 = tpu.vector_load_idx %arg8[%parallel_loop3A_304] : memref<10000xf32, #tpu.memory_space<vmem>>[vector<16xi32>], vector<16xf32>,
      %parallel_loop3A_308 = arith.subf %parallel_loop3A_74, %parallel_loop3A_305 : vector<16xf32>
      %parallel_loop3A_309 = arith.subf %parallel_loop3A_77, %parallel_loop3A_306 : vector<16xf32>
      %parallel_loop3A_310 = arith.subf %parallel_loop3A_80, %parallel_loop3A_307 : vector<16xf32>
      %parallel_loop3A_311 = arith.mulf %parallel_loop3A_308, %parallel_loop3A_308 : vector<16xf32>
      %parallel_loop3A_312 = arith.mulf %parallel_loop3A_309, %parallel_loop3A_309 : vector<16xf32>
      %parallel_loop3A_313 = arith.addf %parallel_loop3A_311, %parallel_loop3A_312 : vector<16xf32>
      %parallel_loop3A_314 = arith.mulf %parallel_loop3A_310, %parallel_loop3A_310 : vector<16xf32>
      %parallel_loop3A_315 = arith.addf %parallel_loop3A_313, %parallel_loop3A_314 : vector<16xf32>
      %parallel_loop3A_316 = arith.constant 10 : i32
      %parallel_loop3A_317 = arith.index_cast %parallel_loop3A_316 : i32 to index
      %parallel_loop3A_318 = arith.index_cast %parallel_loop3A_71 : i32 to index
      %parallel_loop3A_319 = tpu.vector_load %arg10[%parallel_loop3A_317, %parallel_loop3A_318] {strides = array<i32>} : memref<16x320xf32, #tpu.memory_space<vmem>>, vector<16xf32>,
      %parallel_loop3A_320 = arith.subf %parallel_loop3A_315, %parallel_loop3A_319 : vector<16xf32>
      %parallel_loop3A_321 = math.absf %parallel_loop3A_320 : vector<16xf32>
      %parallel_loop3A_322 = arith.addf %parallel_loop3A_278, %parallel_loop3A_321 : vector<16xf32>
      %parallel_loop3A_323 = arith.constant 11 : i32
      %parallel_loop3A_324 = arith.index_cast %parallel_loop3A_323 : i32 to index
      %parallel_loop3A_325 = arith.index_cast %parallel_loop3A_71 : i32 to index
      %parallel_loop3A_326 = tpu.vector_load %arg9[%parallel_loop3A_324, %parallel_loop3A_325] {strides = array<i32>} : memref<16x320xi32, #tpu.memory_space<vmem>>, vector<16xi32>,
      %parallel_loop3A_327 = tpu.vector_load_idx %arg6[%parallel_loop3A_326] : memref<10000xf32, #tpu.memory_space<vmem>>[vector<16xi32>], vector<16xf32>,
      %parallel_loop3A_328 = tpu.vector_load_idx %arg7[%parallel_loop3A_326] : memref<10000xf32, #tpu.memory_space<vmem>>[vector<16xi32>], vector<16xf32>,
      %parallel_loop3A_329 = tpu.vector_load_idx %arg8[%parallel_loop3A_326] : memref<10000xf32, #tpu.memory_space<vmem>>[vector<16xi32>], vector<16xf32>,
      %parallel_loop3A_330 = arith.subf %parallel_loop3A_74, %parallel_loop3A_327 : vector<16xf32>
      %parallel_loop3A_331 = arith.subf %parallel_loop3A_77, %parallel_loop3A_328 : vector<16xf32>
      %parallel_loop3A_332 = arith.subf %parallel_loop3A_80, %parallel_loop3A_329 : vector<16xf32>
      %parallel_loop3A_333 = arith.mulf %parallel_loop3A_330, %parallel_loop3A_330 : vector<16xf32>
      %parallel_loop3A_334 = arith.mulf %parallel_loop3A_331, %parallel_loop3A_331 : vector<16xf32>
      %parallel_loop3A_335 = arith.addf %parallel_loop3A_333, %parallel_loop3A_334 : vector<16xf32>
      %parallel_loop3A_336 = arith.mulf %parallel_loop3A_332, %parallel_loop3A_332 : vector<16xf32>
      %parallel_loop3A_337 = arith.addf %parallel_loop3A_335, %parallel_loop3A_336 : vector<16xf32>
      %parallel_loop3A_338 = arith.constant 11 : i32
      %parallel_loop3A_339 = arith.index_cast %parallel_loop3A_338 : i32 to index
      %parallel_loop3A_340 = arith.index_cast %parallel_loop3A_71 : i32 to index
      %parallel_loop3A_341 = tpu.vector_load %arg10[%parallel_loop3A_339, %parallel_loop3A_340] {strides = array<i32>} : memref<16x320xf32, #tpu.memory_space<vmem>>, vector<16xf32>,
      %parallel_loop3A_342 = arith.subf %parallel_loop3A_337, %parallel_loop3A_341 : vector<16xf32>
      %parallel_loop3A_343 = math.absf %parallel_loop3A_342 : vector<16xf32>
      %parallel_loop3A_344 = arith.addf %parallel_loop3A_300, %parallel_loop3A_343 : vector<16xf32>
      %parallel_loop3A_345 = arith.constant 12 : i32
      %parallel_loop3A_346 = arith.index_cast %parallel_loop3A_345 : i32 to index
      %parallel_loop3A_347 = arith.index_cast %parallel_loop3A_71 : i32 to index
      %parallel_loop3A_348 = tpu.vector_load %arg9[%parallel_loop3A_346, %parallel_loop3A_347] {strides = array<i32>} : memref<16x320xi32, #tpu.memory_space<vmem>>, vector<16xi32>,
      %parallel_loop3A_349 = tpu.vector_load_idx %arg6[%parallel_loop3A_348] : memref<10000xf32, #tpu.memory_space<vmem>>[vector<16xi32>], vector<16xf32>,
      %parallel_loop3A_350 = tpu.vector_load_idx %arg7[%parallel_loop3A_348] : memref<10000xf32, #tpu.memory_space<vmem>>[vector<16xi32>], vector<16xf32>,
      %parallel_loop3A_351 = tpu.vector_load_idx %arg8[%parallel_loop3A_348] : memref<10000xf32, #tpu.memory_space<vmem>>[vector<16xi32>], vector<16xf32>,
      %parallel_loop3A_352 = arith.subf %parallel_loop3A_74, %parallel_loop3A_349 : vector<16xf32>
      %parallel_loop3A_353 = arith.subf %parallel_loop3A_77, %parallel_loop3A_350 : vector<16xf32>
      %parallel_loop3A_354 = arith.subf %parallel_loop3A_80, %parallel_loop3A_351 : vector<16xf32>
      %parallel_loop3A_355 = arith.mulf %parallel_loop3A_352, %parallel_loop3A_352 : vector<16xf32>
      %parallel_loop3A_356 = arith.mulf %parallel_loop3A_353, %parallel_loop3A_353 : vector<16xf32>
      %parallel_loop3A_357 = arith.addf %parallel_loop3A_355, %parallel_loop3A_356 : vector<16xf32>
      %parallel_loop3A_358 = arith.mulf %parallel_loop3A_354, %parallel_loop3A_354 : vector<16xf32>
      %parallel_loop3A_359 = arith.addf %parallel_loop3A_357, %parallel_loop3A_358 : vector<16xf32>
      %parallel_loop3A_360 = arith.constant 12 : i32
      %parallel_loop3A_361 = arith.index_cast %parallel_loop3A_360 : i32 to index
      %parallel_loop3A_362 = arith.index_cast %parallel_loop3A_71 : i32 to index
      %parallel_loop3A_363 = tpu.vector_load %arg10[%parallel_loop3A_361, %parallel_loop3A_362] {strides = array<i32>} : memref<16x320xf32, #tpu.memory_space<vmem>>, vector<16xf32>,
      %parallel_loop3A_364 = arith.subf %parallel_loop3A_359, %parallel_loop3A_363 : vector<16xf32>
      %parallel_loop3A_365 = math.absf %parallel_loop3A_364 : vector<16xf32>
      %parallel_loop3A_366 = arith.addf %parallel_loop3A_322, %parallel_loop3A_365 : vector<16xf32>
      %parallel_loop3A_367 = arith.constant 13 : i32
      %parallel_loop3A_368 = arith.index_cast %parallel_loop3A_367 : i32 to index
      %parallel_loop3A_369 = arith.index_cast %parallel_loop3A_71 : i32 to index
      %parallel_loop3A_370 = tpu.vector_load %arg9[%parallel_loop3A_368, %parallel_loop3A_369] {strides = array<i32>} : memref<16x320xi32, #tpu.memory_space<vmem>>, vector<16xi32>,
      %parallel_loop3A_371 = tpu.vector_load_idx %arg6[%parallel_loop3A_370] : memref<10000xf32, #tpu.memory_space<vmem>>[vector<16xi32>], vector<16xf32>,
      %parallel_loop3A_372 = tpu.vector_load_idx %arg7[%parallel_loop3A_370] : memref<10000xf32, #tpu.memory_space<vmem>>[vector<16xi32>], vector<16xf32>,
      %parallel_loop3A_373 = tpu.vector_load_idx %arg8[%parallel_loop3A_370] : memref<10000xf32, #tpu.memory_space<vmem>>[vector<16xi32>], vector<16xf32>,
      %parallel_loop3A_374 = arith.subf %parallel_loop3A_74, %parallel_loop3A_371 : vector<16xf32>
      %parallel_loop3A_375 = arith.subf %parallel_loop3A_77, %parallel_loop3A_372 : vector<16xf32>
      %parallel_loop3A_376 = arith.subf %parallel_loop3A_80, %parallel_loop3A_373 : vector<16xf32>
      %parallel_loop3A_377 = arith.mulf %parallel_loop3A_374, %parallel_loop3A_374 : vector<16xf32>
      %parallel_loop3A_378 = arith.mulf %parallel_loop3A_375, %parallel_loop3A_375 : vector<16xf32>
      %parallel_loop3A_379 = arith.addf %parallel_loop3A_377, %parallel_loop3A_378 : vector<16xf32>
      %parallel_loop3A_380 = arith.mulf %parallel_loop3A_376, %parallel_loop3A_376 : vector<16xf32>
      %parallel_loop3A_381 = arith.addf %parallel_loop3A_379, %parallel_loop3A_380 : vector<16xf32>
      %parallel_loop3A_382 = arith.constant 13 : i32
      %parallel_loop3A_383 = arith.index_cast %parallel_loop3A_382 : i32 to index
      %parallel_loop3A_384 = arith.index_cast %parallel_loop3A_71 : i32 to index
      %parallel_loop3A_385 = tpu.vector_load %arg10[%parallel_loop3A_383, %parallel_loop3A_384] {strides = array<i32>} : memref<16x320xf32, #tpu.memory_space<vmem>>, vector<16xf32>,
      %parallel_loop3A_386 = arith.subf %parallel_loop3A_381, %parallel_loop3A_385 : vector<16xf32>
      %parallel_loop3A_387 = math.absf %parallel_loop3A_386 : vector<16xf32>
      %parallel_loop3A_388 = arith.addf %parallel_loop3A_344, %parallel_loop3A_387 : vector<16xf32>
      %parallel_loop3A_389 = arith.constant 14 : i32
      %parallel_loop3A_390 = arith.index_cast %parallel_loop3A_389 : i32 to index
      %parallel_loop3A_391 = arith.index_cast %parallel_loop3A_71 : i32 to index
      %parallel_loop3A_392 = tpu.vector_load %arg9[%parallel_loop3A_390, %parallel_loop3A_391] {strides = array<i32>} : memref<16x320xi32, #tpu.memory_space<vmem>>, vector<16xi32>,
      %parallel_loop3A_393 = tpu.vector_load_idx %arg6[%parallel_loop3A_392] : memref<10000xf32, #tpu.memory_space<vmem>>[vector<16xi32>], vector<16xf32>,
      %parallel_loop3A_394 = tpu.vector_load_idx %arg7[%parallel_loop3A_392] : memref<10000xf32, #tpu.memory_space<vmem>>[vector<16xi32>], vector<16xf32>,
      %parallel_loop3A_395 = tpu.vector_load_idx %arg8[%parallel_loop3A_392] : memref<10000xf32, #tpu.memory_space<vmem>>[vector<16xi32>], vector<16xf32>,
      %parallel_loop3A_396 = arith.subf %parallel_loop3A_74, %parallel_loop3A_393 : vector<16xf32>
      %parallel_loop3A_397 = arith.subf %parallel_loop3A_77, %parallel_loop3A_394 : vector<16xf32>
      %parallel_loop3A_398 = arith.subf %parallel_loop3A_80, %parallel_loop3A_395 : vector<16xf32>
      %parallel_loop3A_399 = arith.mulf %parallel_loop3A_396, %parallel_loop3A_396 : vector<16xf32>
      %parallel_loop3A_400 = arith.mulf %parallel_loop3A_397, %parallel_loop3A_397 : vector<16xf32>
      %parallel_loop3A_401 = arith.addf %parallel_loop3A_399, %parallel_loop3A_400 : vector<16xf32>
      %parallel_loop3A_402 = arith.mulf %parallel_loop3A_398, %parallel_loop3A_398 : vector<16xf32>
      %parallel_loop3A_403 = arith.addf %parallel_loop3A_401, %parallel_loop3A_402 : vector<16xf32>
      %parallel_loop3A_404 = arith.constant 14 : i32
      %parallel_loop3A_405 = arith.index_cast %parallel_loop3A_404 : i32 to index
      %parallel_loop3A_406 = arith.index_cast %parallel_loop3A_71 : i32 to index
      %parallel_loop3A_407 = tpu.vector_load %arg10[%parallel_loop3A_405, %parallel_loop3A_406] {strides = array<i32>} : memref<16x320xf32, #tpu.memory_space<vmem>>, vector<16xf32>,
      %parallel_loop3A_408 = arith.subf %parallel_loop3A_403, %parallel_loop3A_407 : vector<16xf32>
      %parallel_loop3A_409 = math.absf %parallel_loop3A_408 : vector<16xf32>
      %parallel_loop3A_410 = arith.addf %parallel_loop3A_366, %parallel_loop3A_409 : vector<16xf32>
      %parallel_loop3A_411 = arith.constant 15 : i32
      %parallel_loop3A_412 = arith.index_cast %parallel_loop3A_411 : i32 to index
      %parallel_loop3A_413 = arith.index_cast %parallel_loop3A_71 : i32 to index
      %parallel_loop3A_414 = tpu.vector_load %arg9[%parallel_loop3A_412, %parallel_loop3A_413] {strides = array<i32>} : memref<16x320xi32, #tpu.memory_space<vmem>>, vector<16xi32>,
      %parallel_loop3A_415 = tpu.vector_load_idx %arg6[%parallel_loop3A_414] : memref<10000xf32, #tpu.memory_space<vmem>>[vector<16xi32>], vector<16xf32>,
      %parallel_loop3A_416 = tpu.vector_load_idx %arg7[%parallel_loop3A_414] : memref<10000xf32, #tpu.memory_space<vmem>>[vector<16xi32>], vector<16xf32>,
      %parallel_loop3A_417 = tpu.vector_load_idx %arg8[%parallel_loop3A_414] : memref<10000xf32, #tpu.memory_space<vmem>>[vector<16xi32>], vector<16xf32>,
      %parallel_loop3A_418 = arith.subf %parallel_loop3A_74, %parallel_loop3A_415 : vector<16xf32>
      %parallel_loop3A_419 = arith.subf %parallel_loop3A_77, %parallel_loop3A_416 : vector<16xf32>
      %parallel_loop3A_420 = arith.subf %parallel_loop3A_80, %parallel_loop3A_417 : vector<16xf32>
      %parallel_loop3A_421 = arith.mulf %parallel_loop3A_418, %parallel_loop3A_418 : vector<16xf32>
      %parallel_loop3A_422 = arith.mulf %parallel_loop3A_419, %parallel_loop3A_419 : vector<16xf32>
      %parallel_loop3A_423 = arith.addf %parallel_loop3A_421, %parallel_loop3A_422 : vector<16xf32>
      %parallel_loop3A_424 = arith.mulf %parallel_loop3A_420, %parallel_loop3A_420 : vector<16xf32>
      %parallel_loop3A_425 = arith.addf %parallel_loop3A_423, %parallel_loop3A_424 : vector<16xf32>
      %parallel_loop3A_426 = arith.constant 15 : i32
      %parallel_loop3A_427 = arith.index_cast %parallel_loop3A_426 : i32 to index
      %parallel_loop3A_428 = arith.index_cast %parallel_loop3A_71 : i32 to index
      %parallel_loop3A_429 = tpu.vector_load %arg10[%parallel_loop3A_427, %parallel_loop3A_428] {strides = array<i32>} : memref<16x320xf32, #tpu.memory_space<vmem>>, vector<16xf32>,
      %parallel_loop3A_430 = arith.subf %parallel_loop3A_425, %parallel_loop3A_429 : vector<16xf32>
      %parallel_loop3A_431 = math.absf %parallel_loop3A_430 : vector<16xf32>
      %parallel_loop3A_432 = arith.addf %parallel_loop3A_388, %parallel_loop3A_431 : vector<16xf32>
      scf.yield %parallel_loop3A_410, %parallel_loop3A_432 : vector<16xf32>, vector<16xf32>
    } {sc.loop_unroll_factor = 2 : i64, sc.parallel_access}
    %add3A_65 = arith.addf %parallel_loop3A_64#0, %parallel_loop3A_64#1 : vector<16xf32>
    %swap3A = arith.constant 0 : index
    %swap3A_66 = tpu.vector_load %arg11[%swap3A] {strides = array<i32>} : memref<16xf32, #tpu.memory_space<vmem>>, vector<16xf32>,
    tpu.vector_store %arg11[%swap3A], %add3A_65 {strides = array<i32>} : memref<16xf32, #tpu.memory_space<vmem>>, vector<16xf32>,
    "tpu.region"() ({
      %run_scoped3A = tpu.sem_alloc : memref<!tpu.dma_semaphore, #tpu.memory_space<semaphore_mem>>
      %dma_start3A_67 = arith.constant 0 : i32
      %dma_start3A_68 = tpu.memref_slice %arg5[%add3A, %dma_start3A_67] : memref<32x16xf32, #tpu.memory_space<hbm>> -> memref<1x16xf32, #tpu.memory_space<hbm>>
      %dma_start3A_69 = tpu.memref_squeeze %dma_start3A_68 : memref<1x16xf32, #tpu.memory_space<hbm>> -> memref<16xf32, #tpu.memory_space<hbm>>
      %dma_start3A_70 = arith.constant 0 : i32
      %dma_start3A_71 = tpu.memref_slice %arg5[%add3A, %dma_start3A_70] : memref<32x16xf32, #tpu.memory_space<hbm>> -> memref<1x16xf32, #tpu.memory_space<hbm>>
      %dma_start3A_72 = tpu.memref_squeeze %dma_start3A_71 : memref<1x16xf32, #tpu.memory_space<hbm>> -> memref<16xf32, #tpu.memory_space<hbm>>
      tpu.enqueue_dma source(%arg11 : memref<16xf32, #tpu.memory_space<vmem>>) target(%dma_start3A_72 : memref<16xf32, #tpu.memory_space<hbm>>) target_semaphore(%run_scoped3A : memref<!tpu.dma_semaphore, #tpu.memory_space<semaphore_mem>>)
      %dma_wait3A_73 = arith.constant 0 : i32
      %dma_wait3A_74 = tpu.memref_slice %arg5[%add3A, %dma_wait3A_73] : memref<32x16xf32, #tpu.memory_space<hbm>> -> memref<1x16xf32, #tpu.memory_space<hbm>>
      %dma_wait3A_75 = tpu.memref_squeeze %dma_wait3A_74 : memref<1x16xf32, #tpu.memory_space<hbm>> -> memref<16xf32, #tpu.memory_space<hbm>>
      %dma_wait3A_76 = arith.constant 0 : i32
      %dma_wait3A_77 = tpu.memref_slice %arg5[%add3A, %dma_wait3A_76] : memref<32x16xf32, #tpu.memory_space<hbm>> -> memref<1x16xf32, #tpu.memory_space<hbm>>
      %dma_wait3A_78 = tpu.memref_squeeze %dma_wait3A_77 : memref<1x16xf32, #tpu.memory_space<hbm>> -> memref<16xf32, #tpu.memory_space<hbm>>
      tpu.wait_dma2 semaphore(%run_scoped3A : memref<!tpu.dma_semaphore, #tpu.memory_space<semaphore_mem>>) src(%arg11 : memref<16xf32, #tpu.memory_space<vmem>>) dst(%dma_wait3A_78 : memref<16xf32, #tpu.memory_space<hbm>>)
      tpu.yield
    }) : () -> ()
    return
  }
}

</mosaic_0001>

<sc_bundles>
// kernel: _arap_sc.3.cloned.1.call-start
scs
__scs_entry_jumppad:
0x0: {  	(pc) =	sbr.rel $0x88, $3  }
0x1: {  	(tag) =	ssettag $0x0;
	lr =	simm.s32 $0x1  }
0x2: {  	[smem:$0x3F9E] =	sst lr;
	_ =	strace $0xD0000000  }
0x3: {  	_ = 	snop  }
0x4: {  	_ = 	snop  }
0x5: {  	_ = 	snop  }
0x6: {  	_ = 	snop  }
0x7: {  	_ = 	snop  }
__scs_overlays_trampoline_lowered:
0x8: {  	[smem:$0x3FAD] =	sst s0  }
0x9: {  	[smem:$0x3FAE] =	sst s1  }
0xa: {  	[smem:$0x3FAF] =	sst s2  }
0xb: {  	[smem:$0x3FB0] =	sst s3  }
0xc: {  	[smem:$0x3FB1] =	sst s4  }
0xd: {  	[smem:$0x3FB2] =	sst s5  }
0xe: {  	[smem:$0x3FB3] =	sst s6  }
0xf: {  	[smem:$0x3FB4] =	sst s7  }
0x10: {  	[smem:$0x3FB5] =	sst s8  }
0x11: {  	[smem:$0x3FB6] =	sst s9;
	s0 =	simm.s32 @!p0 $0x0  }
0x12: {  	s1 =	sld [smem:$0x3F9C];
	s0 =	simm.s32 @p0 $0x1  }
0x13: {  	[smem:$0x3FB7] =	sst s0;
	s0 =	simm.s32 @!p1 $0x0  }
0x14: {  	s2 =	sld [smem:$0x3F9B];
	s0 =	simm.s32 @p1 $0x1  }
0x15: {  	[smem:$0x3FB8] =	sst s0;
	s0 =	simm.s32 @!p2 $0x0  }
0x16: {  	s3 =	sld [smem:$0x3FDB];
	s0 =	simm.s32 @p2 $0x1  }
0x17: {  	s4 =	simm.s32 $0x1BF5;
	[smem:$0x3FBA] =	sst s0  }
0x18: {  	s0 =	sld [smem:$0x3F9D];
	_ =	swait.ge [sflag:s4], $0x0  }
0x19: {  	s7 =	sld [smem:$0x3F9E]  }
0x1a: {  	s8 =	sadd.s32 $0xFFFFE003, lr  }
0x1b: {  	s9 =	sadd.s32 $0xFFFFFEF7, lr;
	s5 =	simm.s32 $0xFFFFFFFF;
	p2 =	slt.u32 s8, $0xFFFFF086  }
0x1c: {  	p1 =	slt.u32 s9, $0xF7A;
	s5 =	simm.s32 @!p2 $0x0  }
0x1d: {  	s5 =	simm.s32 @p1 $0x1;
	p0 =	seq.s32 s7, s2  }
0x1e: {  	s7 =	smul.u32 @!p0 $0xF7A, s2;
	p2 =	seq.s32 @!p0 s5, $0x0  }
0x1f: {  	s9 =	smul.u32 $0xF7A, s1;
	s8 =	simm.s32 @!p0 $0x1BF5;
	p2 =	por !p2, p0  }
0x20: {  	[sflag:s8] =	ssyncset.s32 @!p0 $0xFFFFF086;
	s6 =	sadd.s32 @!p0 s3, s7;
	s7 =	simm.s32 @!p0 $0x108  }
0x21: {  	s3 =	sadd.s32 s3, s9;
	s6 =	sadd.s32 @!p0 $0x88, s6;
	s7 =	simm.s32 @p2 $0x1082  }
0x22: {  	[simem:s7], [sflag:s8] =	dma.local @!p0 [hbm:s6], $0xF7A  }
0x23: {  	s9 =	sor.u32 $0xD0000000, s2;
	s6 =	simm.s32 $0x108;
	_ =	swait.ge @!p0 [sflag:s8], $0x0  }
0x24: {  	s3 =	sadd.s32 $0x88, s3;
	s6 =	simm.s32 @!p1 $0x1082;
	[sflag:s4] =	ssyncset.s32 $0xFFFFF086  }
0x25: {  	[simem:s6], [sflag:s4] =	dma.local [hbm:s3], $0xF7A  }
0x26: {  	[smem:$0x3F9E] =	sst s1;
	(tag) =	ssettag s2;
	_ =	strace s9  }
0x27: {  	s1 =	sld [smem:$0x3FAE]  }
0x28: {  	s2 =	sld [smem:$0x3FAF]  }
0x29: {  	s4 =	sld [smem:$0x3FB1]  }
0x2a: {  	p0 =	seq.s32 s5, $0x0;
	s5 =	sld [smem:$0x3FB2]  }
0x2b: {  	s6 =	sld [smem:$0x3FB3]  }
0x2c: {  	s7 =	sld [smem:$0x3FB4]  }
0x2d: {  	s3 =	simm.s32 $0x108;
	s8 =	sld [smem:$0x3FB5]  }
0x2e: {  	s3 =	simm.s32 @!p0 $0x1082;
	s9 =	sld [smem:$0x3FB6]  }
0x2f: {  	lr =	sadd.s32 s0, s3;
	s0 =	sld [smem:$0x3FAD]  }
0x30: {  	s3 =	sld [smem:$0x3FB0]  }
0x31: {  	[smem:$0x3FB9] =	sst s10  }
0x32: {  	s10 =	sld [smem:$0x3FB7];
	_ =	sdelay $0x3  }
0x33: {  	p0 =	seq.s32 s10, $0x1;
	s10 =	sld [smem:$0x3FB9];
	_ =	sdelay $0x3  }
0x34: {  	[smem:$0x3FB9] =	sst s10  }
0x35: {  	s10 =	sld [smem:$0x3FB8];
	_ =	sdelay $0x3  }
0x36: {  	p1 =	seq.s32 s10, $0x1;
	s10 =	sld [smem:$0x3FB9];
	_ =	sdelay $0x3  }
0x37: {  	[smem:$0x3FB9] =	sst s10  }
0x38: {  	s10 =	sld [smem:$0x3FBA]  }
0x39: {  	_ = 	snop;
	(pc) =	sbr.ind lr, $3  }
0x3a: {  	_ = 	snop  }
0x3b: {  	_ = 	snop  }
0x3c: {  	p2 =	seq.s32 s10, $0x1;
	s10 =	sld [smem:$0x3FB9]  }
0x3d: {  	_ =	shalt  }
0x3e: {  	_ =	shalt  }
0x3f: {  	_ =	shalt  }
0x40: {  	_ =	shalt  }
0x41: {  	_ =	shalt  }
0x42: {  	_ =	shalt  }
0x43: {  	_ =	shalt  }
0x44: {  	_ =	shalt  }
0x45: {  	_ =	shalt  }
0x46: {  	_ =	shalt  }
0x47: {  	_ =	shalt  }
0x48: {  	_ =	shalt  }
0x49: {  	_ =	shalt  }
0x4a: {  	_ =	shalt  }
0x4b: {  	_ =	shalt  }
0x4c: {  	_ =	shalt  }
0x4d: {  	_ =	shalt  }
0x4e: {  	_ =	shalt  }
0x4f: {  	_ =	shalt  }
0x50: {  	_ =	shalt  }
0x51: {  	_ =	shalt  }
0x52: {  	_ =	shalt  }
0x53: {  	_ =	shalt  }
0x54: {  	_ =	shalt  }
0x55: {  	_ =	shalt  }
0x56: {  	_ =	shalt  }
0x57: {  	_ =	shalt  }
0x58: {  	_ =	shalt  }
0x59: {  	_ =	shalt  }
0x5a: {  	_ =	shalt  }
0x5b: {  	_ =	shalt  }
0x5c: {  	_ =	shalt  }
0x5d: {  	_ =	shalt  }
0x5e: {  	_ =	shalt  }
0x5f: {  	_ =	shalt  }
0x60: {  	_ =	shalt  }
0x61: {  	_ =	shalt  }
0x62: {  	_ =	shalt  }
0x63: {  	_ =	shalt  }
0x64: {  	_ =	shalt  }
0x65: {  	_ =	shalt  }
0x66: {  	_ =	shalt  }
0x67: {  	_ =	shalt  }
0x68: {  	_ =	shalt  }
0x69: {  	_ =	shalt  }
0x6a: {  	_ =	shalt  }
0x6b: {  	_ =	shalt  }
0x6c: {  	_ =	shalt  }
0x6d: {  	_ =	shalt  }
0x6e: {  	_ =	shalt  }
0x6f: {  	_ =	shalt  }
0x70: {  	_ =	shalt  }
0x71: {  	_ =	shalt  }
0x72: {  	_ =	shalt  }
0x73: {  	_ =	shalt  }
0x74: {  	_ =	shalt  }
0x75: {  	_ =	shalt  }
0x76: {  	_ =	shalt  }
0x77: {  	_ =	shalt  }
0x78: {  	_ =	shalt  }
0x79: {  	_ =	shalt  }
0x7a: {  	_ =	shalt  }
0x7b: {  	_ =	shalt  }
0x7c: {  	_ =	shalt  }
0x7d: {  	_ =	shalt  }
0x7e: {  	_ =	shalt  }
0x7f: {  	_ =	shalt  }
0x80: {  	_ =	shalt  }
0x81: {  	_ =	shalt  }
0x82: {  	_ =	shalt  }
0x83: {  	_ =	shalt  }
0x84: {  	_ =	shalt  }
0x85: {  	_ =	shalt  }
0x86: {  	_ =	shalt  }
0x87: {  	_ =	shalt  }
.Lfunc_end0:
.L_simem_size_0:
called_computation_lowered:
.L_overlay_start_0:
0x88: {  	s2 =	sld [smem:$0x3FD9]  }
0x89: {  	s3 =	sld [smem:$0x3FFE];
	_ =	sdelay $0x1  }
0x8a: {  	s1 =	srdreg.scid  }
0x8b: {  	s0 =	sand.u32 $0x1, s1  }
0x8c: {  	s17 =	sshll.u32 s0, $0xA;
	s2 =	sadd.s32 s3, s2  }
0x8d: {  	s2 =	sadd.s32 s2, s17  }
0x8e: {  	[smem:$0x3FC5] =	sst s2  }
0x8f: {  	_ = 	snop  }
0x90: {  	s2 =	sld [smem:$0x3FD0];
	(tm) =	ssettm $0x1  }
0x91: {  	s18 =	sld [smem:$0x3FFB];
	_ =	sdelay $0x3  }
0x92: {  	_ =	strace s18  }
0x93: {  	s3 =	sld [smem:$0x3FFC];
	_ =	sdelay $0x3  }
0x94: {  	_ =	strace s3  }
0x95: {  	s3 =	sld [smem:$0x3FFD];
	_ =	sdelay $0x3  }
0x96: {  	_ =	strace s3  }
0x97: {  	_ =	strace $0x8FFFFFFF  }
0x98: {  	s19 =	sld [smem:$0x3FDB];
	_ =	sdelay $0x1  }
0x99: {  	s4 =	simm.s32 $_scs_section_size  }
0x9a: {  	s5 =	simm.s32 $_size__tile_overlayer_lowered;
	s6 =	simm.s32 $_tile_overlayer_lowered  }
0x9b: {  	s22 =	simm.s32 $0x1BFF;
	s21 =	sshll.u32 s6, $0x1;
	s3 =	sadd.s32 s4, s19  }
0x9c: {  	s7 =	simm.s32 $0x0;
	s20 =	sshll.u32 s5, $0x1;
	s5 =	sadd.s32 s21, s3  }
0x9d: {  	[timem:s7], [sflag:s22] =	dma.local [hbm:s5], s20  }
0x9e: {  	_ =	swait.ge [sflag:s22], s20  }
0x9f: {  	s4 =	ssub.s32 $0x0, s20;
	[sflag:s22] =	ssyncset.done $0x0  }
0xa0: {  	[sflag:s22] =	ssyncadd.s32 s4;
	_ =	sdelay $0x1  }
0xa1: {  	s23 =	simm.s32 $0x1B8B  }
0xa2: {  	_ =	swait.ge [sflag:s23], $0x1  }
0xa3: {  	[sflag:s23] =	ssyncset.done $0x0  }
0xa4: {  	s25 =	simm.s32 $0x1B8E;
	s24 =	sld [smem:$0x3FFE];
	[sflag:s23] =	ssyncadd.s32 $0xFFFFFFFF  }
0xa5: {  	s26 =	simm.s32 $execute0_lowered;
	[smem:$0x3FD2] =	sst s25  }
0xa6: {  	s5 =	sshll.u32 s26, $0x1;
	_ =	strace $0x80000046;
	[dreg:$0x1] =	wrdreg $0xFFFFFFFF  }
0xa7: {  	s28 =	simm.s32 $_size_execute0_lowered;
	s3 =	sadd.s32 s3, s5;
	[dreg:$0x0] =	wrdreg $0x0  }
0xa8: {  	s5 =	sshll.u32 s28, $0x1;
	[dreg:$0x2] =	wrdreg s3  }
0xa9: {  	[dreg:$0x3] =	wrdreg s5  }
0xaa: {  	[dreg:$0x4] =	wrdreg $0xC0  }
0xab: {  	_ =	task [dreg:s7], $0x5FFFF  }
0xac: {  	[dreg:$0x1] =	wrdreg $0xFFFFFFFF  }
0xad: {  	[dreg:$0x0] =	wrdreg $0x60  }
0xae: {  	[dreg:$0x2] =	wrdreg s24  }
0xaf: {  	[dreg:$0x3] =	wrdreg s2  }
0xb0: {  	[dreg:$0x4] =	wrdreg $0x9  }
0xb1: {  	_ =	task.clear_ibuf [dreg:s7], $0x5FFFF;
	_ =	strace $0x90000046  }
0xb2: {  	s29 =	simm.s32 $0x9;
	_ =	strace $0x80000048  }
0xb3: {  	_ =	swait.ge [sflag:s29], $0x1  }
0xb4: {  	[sflag:s29] =	ssyncadd.s32 $0xFFFFFFFF  }
0xb5: {  	_ =	strace $0x90000048  }
0xb6: {  	_ =	sfence  }
0xb7: {  	s30 =	sld [smem:$0x0];
	_ =	sdelay $0x2  }
0xb8: {  	s31 =	sshll.u32 s1, $0xD;
	s1 =	sshrl.u32 s1, $0x2  }
0xb9: {  	s3 =	sand.u32 $0x4000, s31;
	s1 =	sadd.s32 s1, s30  }
0xba: {  	s0 =	sor.u32 s3, s0;
	s1 =	sshll.u32 s1, $0x11  }
0xbb: {  	s0 =	sor.u32 s1, s0  }
0xbc: {  	s0 =	sadd.s32 $0x8F2B, s0  }
0xbd: {  	[sflag:s0] =	ssyncadd.remote.s32 $0x1  }
0xbe: {  	_ =	sfence.sel $0xFFFF  }
0xbf: {  	[dreg:$0x0] =	wrdreg $0xFFFFFFFF;
	(pc) =	sbr.abs _section_cstart, $3  }
0xc0: {  	[dreg:$0x1] =	wrdreg $0xFFFFFFFF  }
0xc1: {  	_ =	task.clear_ibuf [dreg:s7], $0x2FFFF;
	_ =	strace $0x9FFFFFFF  }
0xc2: {  	(tm) =	ssettm $0x7FFFFFFF  }
0xc3: {  	_ =	shalt  }
tec
execute0_lowered:
.L_overlay_start_1:
0x0: {  	(tag) =	ssettag $0x1  }
0x1: {  	s1 =	srdreg.scid;
	s6 =	rddreg [dreg:$0x0]  }
0x2: {  	s0 =	stileid.u32;
	s11 =	rddreg [dreg:$0x1]  }
0x3: {  	s18 =	simm.s32 $0x4E20;
	s1 =	sand.u32 $0x1, s1;
	s2 =	sshll.u32 s0, $0x1  }
0x4: {  	s19 =	simm.s32 $0x140;
	s9 =	smul.u32 $0x280, s0;
	s10 =	sor.u32 s1, s2  }
0x5: {  	s2 =	simm.s32 $0x0;
	s4 =	ssub.s32 $0x2, s1;
	s1 =	smul.u32 $0x140, s1  }
0x6: {  	s20 =	simm.s32 $0x7530;
	s3 =	smul.u32 $0x140, s10;
	[smem:$0x7FF] =	sst s2  }
0x7: {  	s7 =	sshrl.u32 s4, $0x1;
	p0 =	seq.s32 s10, $0x1F;
	s10 =	sshll.u32 s10, $0x1  }
0x8: {  	_ =	strace $0x80000047;
	s12 =	ssub.s32 s4, s7;
	s4 =	simm.s32 $0xF  }
0x9: {  	s1 =	sadd.s32 s1, s9;
	s10 =	sadd.s32 s11, s10;
	s3 =	smin.u32 s3, $0x25D0  }
0xa: {  	s4 =	simm.s32 @!p0 $0x0;
	s30 =	smin.u32 s1, $0x25D0;
	s11 =	smax.u32 s12, $0x1  }
0xb: {  	s5 =	sshrl.u32 s3, $0x3;
	s3 =	sadd.s32 $0x600, s6;
	s13 =	ssub.s32 $0x14, s4  }
0xc: {  	s17 =	sshll.u32 s4, $0x6;
	s1 =	sshll.u32 s30, $0x2;
	s12 =	sadd.s32 $0x10, s30  }
0xd: {  	s8 =	sadd.s32 s5, s6;
	s5 =	sadd.s32 $0xAE2, s6;
	s6 =	sadd.s32 $0xFC4, s6  }
0xe: {  	s14 =	sand.u32 $0x1E, s13;
	s15 =	sadd.s32 s1, s17;
	s1 =	sadd.s32 $0x2720, s30  }
0xf: {  	s13 =	sshll.u32 s13, $0x6;
	s22 =	sshrl.u32 s17, $0x2;
	s21 =	sshrl.u32 s15, $0x2  }
0x10: {  	s17 =	simm.s32 $0x2710;
	s7 =	sadd.s32 $0x1600, s8;
	s24 =	sadd.s32 $0x87F0, s22;
	v28 =	vmov s21  }
.Ltmp0:
0x11: {  	s8 =	sadd.s32 $0x6600, s8;
	s25 =	sadd.s32 $0x9BF0, s22;
	v31 =	vmov s24;
	[tilespmem:$0x1FFB0] =	vst v28;
	(pc) =	sbr.rel .LBB2_1-.Ltmp0, $4  }
0x12: {  	s9 =	sadd.s32 s4, s14;
	s14 =	sadd.s32 $0x4E30, s30;
	s31 =	sadd.s32 $0x2710, s21;
	v32 =	vmov s25;
	[tilespmem:$0x1FFE0] =	vst v31  }
0x13: {  	s16 =	sand.u32 $0x780, s13;
	v0 =	vmov s22;
	s22 =	simm.s32 $0x1;
	s23 =	sadd.s32 $0x4E20, s21;
	v29 =	vmov s31;
	[tilespmem:$0x1FFF0] =	vst v32  }
0x14: {  	s15 =	sadd.s32 $0xFFFFFFFF, s9;
	s21 =	simm.s32 $0x8930;
	p0 =	sgt.u32 s9, $0x13;
	v30 =	vmov s23;
	[tilespmem:$0x1FFC0] =	vst v29  }
0x15: {  	s24 =	simm.s32 $0x2;
	s25 =	simm.s32 $0x0;
	s23 =	simm.s32 $0x9D30;
	[tilespmem:$0x1FFD0] =	vst v30  }
.LBB2_5:
0x16: {  	v1 =	vadd.f32 v1, v2;
	s25 =	sadd.s32 $0x1, s25  }
0x17: {  	p1 =	sne.s32 s25, s11  }
.Ltmp1:
0x18: {  	[tilespmem:$0x9D30] =	vst v1;
	(pc) =	sbr.rel @!p1 .LBB2_6-.Ltmp1, $4  }
0x19: {  	[hbm4b:s10+s2] =	stream.linear.scatter [tilespmem:s23], [sflag:$0x2], $0x10, $0x38;
	[tilespmem:$0x9D40] =	vst v63  }
0x1a: {  	_ =	swait.ge [sflag:s24], $0x10  }
0x1b: {  	[sflag:s24] =	ssyncset.done $0x0  }
0x1c: {  	[sflag:s24] =	ssyncadd.s32 $0xFFFFFFF0  }
.LBB2_1:
0x1d: {  	[tilespmem:s2], [sflag:$0x1] =	stream.linear.gather [hbm4b:s3+s2], $0x2710, $0x38;
	[tilespmem:$0x9D40] =	vst v63  }
0x1e: {  	_ = 	snop  }
0x1f: {  	[tilespmem:s17], [sflag:$0x1] =	stream.linear.gather [hbm4b:s5+s2], $0x2710, $0x38;
	[tilespmem:$0x9D40] =	vst v63  }
0x20: {  	_ = 	snop  }
0x21: {  	[tilespmem:s18], [sflag:$0x1] =	stream.linear.gather [hbm4b:s6+s2], $0x2710, $0x38;
	[tilespmem:$0x9D40] =	vst v63  }
0x22: {  	_ = 	snop  }
0x23: {  	[tilespmem:s20], [sflag:$0x1] =	stream.strided.gather [hbm4b:s7+s19], $0x1400, s17, s19, $0x38;
	[tilespmem:$0x9D40] =	vst v63  }
0x24: {  	_ = 	snop  }
0x25: {  	[tilespmem:s21], [sflag:$0x1] =	stream.strided.gather [hbm4b:s8+s19], $0x1400, s17, s19, $0x38;
	[tilespmem:$0x9D40] =	vst v63  }
0x26: {  	_ =	swait.ge [sflag:s22], $0x2710  }
0x27: {  	[sflag:s22] =	ssyncset.done $0x0  }
0x28: {  	[sflag:s22] =	ssyncadd.s32 $0xFFFFD8F0  }
0x29: {  	_ =	swait.ge [sflag:s22], $0x2710  }
0x2a: {  	[sflag:s22] =	ssyncset.done $0x0  }
0x2b: {  	[sflag:s22] =	ssyncadd.s32 $0xFFFFD8F0  }
0x2c: {  	_ =	swait.ge [sflag:s22], $0x2710  }
0x2d: {  	[sflag:s22] =	ssyncset.done $0x0  }
0x2e: {  	[sflag:s22] =	ssyncadd.s32 $0xFFFFD8F0  }
0x2f: {  	_ =	swait.ge [sflag:s22], $0x1400  }
0x30: {  	[sflag:s22] =	ssyncset.done $0x0  }
0x31: {  	[sflag:s22] =	ssyncadd.s32 $0xFFFFEC00  }
0x32: {  	_ =	swait.ge [sflag:s22], $0x1400  }
0x33: {  	[sflag:s22] =	ssyncset.done $0x0  }
0x34: {  	s13 =	simm.s32 $0x8800;
	[sflag:s22] =	ssyncadd.s32 $0xFFFFEC00  }
0x35: {  	v1 =	vld.idx.msk [tilespmem:v0+s13+$0xFFFFFEC0 ss:$0x1], $0xffff  }
0x36: {  	v2 =	vld.idx.msk [tilespmem:v0+s13+$0x0 ss:$0x1], $0xffff  }
0x37: {  	v3 =	vld.idx.msk [tilespmem:v0+s13+$0xFFFFFC40 ss:$0x1], $0xffff  }
0x38: {  	v4 =	vld.idx.msk [tilespmem:v0+s13+$0xFFFFFD80 ss:$0x1], $0xffff  }
0x39: {  	v5 =	vld.idx.msk [tilespmem:v0+s14+$0x0 ss:$0x1], $0xffff  }
0x3a: {  	v6 =	vld.idx.msk [tilespmem:v0+s13+$0xFFFFF9C0 ss:$0x1], $0xffff  }
0x3b: {  	v7 =	vld.idx.msk [tilespmem:v0+s13+$0xFFFFFB00 ss:$0x1], $0xffff  }
0x3c: {  	v8 =	vld.idx.msk [tilespmem:v0+s13+$0xFFFFF740 ss:$0x1], $0xffff  }
0x3d: {  	v9 =	vld.idx.msk [tilespmem:v0+s13+$0xFFFFF880 ss:$0x1], $0xffff  }
0x3e: {  	v10 =	vld.idx.msk [tilespmem:v0+s13+$0xFFFFF4C0 ss:$0x1], $0xffff  }
0x3f: {  	v11 =	vld.idx.msk [tilespmem:v0+s13+$0xFFFFF600 ss:$0x1], $0xffff  }
0x40: {  	v12 =	vld.idx.msk [tilespmem:v0+s13+$0xFFFFF240 ss:$0x1], $0xffff  }
0x41: {  	v13 =	vld.idx.msk [tilespmem:v0+s13+$0xFFFFF380 ss:$0x1], $0xffff  }
0x42: {  	v14 =	vld.idx.msk [tilespmem:v0+s13+$0xFFFFEFC0 ss:$0x1], $0xffff  }
0x43: {  	v15 =	vld.idx.msk [tilespmem:v0+s13+$0xFFFFF100 ss:$0x1], $0xffff  }
0x44: {  	v16 =	vld.idx.msk [tilespmem:v0+s13+$0xFFFFED40 ss:$0x1], $0xffff  }
0x45: {  	v17 =	vld.idx.msk [tilespmem:v0+s13+$0xFFFFEE80 ss:$0x1], $0xffff  }
0x46: {  	v18 =	vld.idx.msk [tilespmem:v0+s13+$0xFFFFFEB0 ss:$0x1], $0xffff  }
0x47: {  	v19 =	vld.idx.msk [tilespmem:v0+s13+$0xFFFFFFF0 ss:$0x1], $0xffff  }
0x48: {  	v20 =	vld.idx.msk [tilespmem:v0+s13+$0xFFFFFC30 ss:$0x1], $0xffff  }
0x49: {  	v21 =	vld.idx.msk [tilespmem:v0+s13+$0xFFFFFD70 ss:$0x1], $0xffff  }
0x4a: {  	v22 =	vld.idx.msk [tilespmem:v0+s13+$0xFFFFF9B0 ss:$0x1], $0xffff  }
0x4b: {  	v25 =	vld.idx.msk [tilespmem:v1+s18+$0x0], $0xffff  }
0x4c: {  	v32 =	vld.idx.msk [tilespmem:v1+s2+$0x0], $0xffff  }
0x4d: {  	v1 =	vld.idx.msk [tilespmem:v1+s17+$0x0], $0xffff  }
0x4e: {  	v23 =	vld.idx.msk [tilespmem:v0+s13+$0xFFFFFAF0 ss:$0x1], $0xffff  }
0x4f: {  	v24 =	vld.idx.msk [tilespmem:v0+s13+$0xFFFFF730 ss:$0x1], $0xffff  }
0x50: {  	v26 =	vld.idx.msk [tilespmem:v2+s18+$0x0], $0xffff  }
0x51: {  	v27 =	vld.idx.msk [tilespmem:v3+s18+$0x0], $0xffff  }
0x52: {  	v28 =	vld.idx.msk [tilespmem:v4+s18+$0x0], $0xffff;
	[tilespmem:$0x1FB40] =	vst v1  }
0x53: {  	v1 =	vld.idx.msk [tilespmem:v2+s17+$0x0], $0xffff;
	_ =	sdelay $0x4  }
0x54: {  	v33 =	vld.idx.msk [tilespmem:v2+s2+$0x0], $0xffff;
	[tilespmem:$0x1FB50] =	vst v1  }
0x55: {  	v1 =	vld.idx.msk [tilespmem:v3+s17+$0x0], $0xffff;
	_ =	sdelay $0x2  }
0x56: {  	v2 =	vld.idx.msk [tilespmem:v6+s18+$0x0], $0xffff  }
0x57: {  	v29 =	vld.idx.msk [tilespmem:v7+s18+$0x0], $0xffff  }
0x58: {  	v36 =	vld.idx.msk [tilespmem:v3+s2+$0x0], $0xffff;
	[tilespmem:$0x1FB60] =	vst v1  }
0x59: {  	v31 =	vld.idx.msk [tilespmem:v4+s2+$0x0], $0xffff  }
0x5a: {  	v39 =	vld.idx.msk [tilespmem:v4+s17+$0x0], $0xffff  }
0x5b: {  	v4 =	vld.idx.msk [tilespmem:v8+s18+$0x0], $0xffff  }
0x5c: {  	v34 =	vld.idx.msk [tilespmem:v9+s18+$0x0], $0xffff  }
0x5d: {  	v40 =	vld.idx.msk [tilespmem:v6+s2+$0x0], $0xffff  }
0x5e: {  	v3 =	vld.idx.msk [tilespmem:v6+s17+$0x0], $0xffff  }
0x5f: {  	v30 =	vld.idx.msk [tilespmem:v7+s2+$0x0], $0xffff  }
0x60: {  	v43 =	vld.idx.msk [tilespmem:v7+s17+$0x0], $0xffff  }
0x61: {  	v37 =	vld.idx.msk [tilespmem:v10+s18+$0x0], $0xffff  }
0x62: {  	v42 =	vld.idx.msk [tilespmem:v11+s18+$0x0], $0xffff  }
0x63: {  	v44 =	vld.idx.msk [tilespmem:v8+s2+$0x0], $0xffff  }
0x64: {  	v45 =	vld.idx.msk [tilespmem:v8+s17+$0x0], $0xffff  }
0x65: {  	v46 =	vld.idx.msk [tilespmem:v9+s2+$0x0], $0xffff  }
0x66: {  	v47 =	vld.idx.msk [tilespmem:v9+s17+$0x0], $0xffff  }
0x67: {  	v9 =	vld.idx.msk [tilespmem:v12+s18+$0x0], $0xffff  }
0x68: {  	v48 =	vld.idx.msk [tilespmem:v13+s18+$0x0], $0xffff  }
0x69: {  	v49 =	vld.idx.msk [tilespmem:v10+s2+$0x0], $0xffff  }
0x6a: {  	v51 =	vld.idx.msk [tilespmem:v10+s17+$0x0], $0xffff  }
0x6b: {  	v52 =	vld.idx.msk [tilespmem:v11+s2+$0x0], $0xffff  }
0x6c: {  	v53 =	vld.idx.msk [tilespmem:v11+s17+$0x0], $0xffff  }
0x6d: {  	v11 =	vld.idx.msk [tilespmem:v14+s18+$0x0], $0xffff  }
0x6e: {  	v50 =	vld.idx.msk [tilespmem:v15+s18+$0x0], $0xffff  }
0x6f: {  	v54 =	vld.idx.msk [tilespmem:v12+s2+$0x0], $0xffff  }
0x70: {  	v55 =	vld.idx.msk [tilespmem:v12+s17+$0x0], $0xffff  }
0x71: {  	v56 =	vld.idx.msk [tilespmem:v13+s2+$0x0], $0xffff  }
0x72: {  	v57 =	vld.idx.msk [tilespmem:v13+s17+$0x0], $0xffff  }
0x73: {  	v58 =	vld.idx.msk [tilespmem:v16+s18+$0x0], $0xffff  }
0x74: {  	v59 =	vld.idx.msk [tilespmem:v17+s18+$0x0], $0xffff  }
0x75: {  	v60 =	vld.idx.msk [tilespmem:v14+s2+$0x0], $0xffff  }
0x76: {  	v61 =	vld.idx.msk [tilespmem:v14+s17+$0x0], $0xffff  }
0x77: {  	v62 =	vld.idx.msk [tilespmem:v15+s2+$0x0], $0xffff  }
0x78: {  	v63 =	vld.idx.msk [tilespmem:v15+s17+$0x0], $0xffff  }
0x79: {  	v35 =	vld.idx.msk [tilespmem:v18+s18+$0x0], $0xffff  }
0x7a: {  	v38 =	vld.idx.msk [tilespmem:v19+s18+$0x0], $0xffff  }
0x7b: {  	v8 =	vld.idx.msk [tilespmem:v16+s2+$0x0], $0xffff  }
0x7c: {  	v1 =	vld.idx.msk [tilespmem:v18+s2+$0x0], $0xffff  }
0x7d: {  	v41 =	vld.idx.msk [tilespmem:v16+s17+$0x0], $0xffff  }
0x7e: {  	v14 =	vld.idx.msk [tilespmem:v17+s2+$0x0], $0xffff  }
0x7f: {  	v15 =	vld.idx.msk [tilespmem:v17+s17+$0x0], $0xffff  }
0x80: {  	v16 =	vld.idx.msk [tilespmem:v20+s18+$0x0], $0xffff  }
0x81: {  	v17 =	vld.idx.msk [tilespmem:v21+s18+$0x0], $0xffff;
	[tilespmem:$0x1FC30] =	vst v1  }
0x82: {  	v1 =	vld.idx.msk [tilespmem:v18+s17+$0x0], $0xffff;
	_ =	sdelay $0x4  }
0x83: {  	[tilespmem:$0x1FC80] =	vst v1  }
0x84: {  	v1 =	vld.idx.msk [tilespmem:v19+s2+$0x0], $0xffff;
	_ =	sdelay $0x4  }
0x85: {  	[tilespmem:$0x1FC40] =	vst v1  }
0x86: {  	v1 =	vld.idx.msk [tilespmem:v19+s17+$0x0], $0xffff;
	_ =	sdelay $0x4  }
0x87: {  	[tilespmem:$0x1FC90] =	vst v1  }
0x88: {  	v1 =	vld.idx.msk [tilespmem:v20+s17+$0x0], $0xffff;
	_ =	sdelay $0x4  }
0x89: {  	v19 =	vld.idx.msk [tilespmem:v20+s2+$0x0], $0xffff;
	[tilespmem:$0x1FCA0] =	vst v1  }
0x8a: {  	v1 =	vld.idx.msk [tilespmem:v21+s2+$0x0], $0xffff;
	_ =	sdelay $0x4  }
0x8b: {  	[tilespmem:$0x1FC50] =	vst v1  }
0x8c: {  	v1 =	vld.idx.msk [tilespmem:v21+s17+$0x0], $0xffff;
	_ =	sdelay $0x4  }
0x8d: {  	[tilespmem:$0x1FCB0] =	vst v1  }
0x8e: {  	v1 =	vld.idx.msk [tilespmem:v22+s2+$0x0], $0xffff;
	_ =	sdelay $0x4  }
0x8f: {  	v13 =	vld.idx.msk [tilespmem:v22+s18+$0x0], $0xffff;
	[tilespmem:$0x1FC60] =	vst v1  }
0x90: {  	v1 =	vld.idx.msk [tilespmem:v22+s17+$0x0], $0xffff;
	_ =	sdelay $0x4  }
0x91: {  	[tilespmem:$0x1FCD0] =	vst v1  }
0x92: {  	v6 =	vld.idx.msk [tilespmem:v23+s2+$0x0], $0xffff;
	_ =	sdelay $0x3  }
0x93: {  	v1 =	vld.idx.msk [tilespmem:v0+s13+$0xFFFFF870 ss:$0x1], $0xffff  }
0x94: {  	v12 =	vld.idx.msk [tilespmem:v23+s18+$0x0], $0xffff;
	[tilespmem:$0x1FC70] =	vst v6;
	v6 =	vsub.f32 v5, v25;
	_ =	sdelay $0x1  }
0x95: {  	[tilespmem:$0x1FCC0] =	vst v6  }
0x96: {  	v6 =	vld.idx.msk [tilespmem:v23+s17+$0x0], $0xffff;
	_ =	sdelay $0x4  }
0x97: {  	[tilespmem:$0x1FCF0] =	vst v6;
	v6 =	vsub.f32 v5, v26;
	_ =	sdelay $0x1  }
0x98: {  	[tilespmem:$0x1FCE0] =	vst v6;
	v6 =	vsub.f32 v5, v27  }
0x99: {  	v2 =	vsub.f32 v5, v2  }
0x9a: {  	[tilespmem:$0x1FD00] =	vst v6;
	v6 =	vsub.f32 v5, v28  }
0x9b: {  	v27 =	vld.idx.msk [tilespmem:v0+s12+$0x0 ss:$0x1], $0xffff;
	[tilespmem:$0x1FE60] =	vst v2;
	v2 =	vsub.f32 v5, v29  }
0x9c: {  	[tilespmem:$0x1FD10] =	vst v6  }
0x9d: {  	v10 =	vld.idx.msk [tilespmem:v24+s18+$0x0], $0xffff;
	[tilespmem:$0x1FE70] =	vst v2;
	v2 =	vsub.f32 v5, v4;
	_ =	sdelay $0x1  }
0x9e: {  	[tilespmem:$0x1FE80] =	vst v2;
	v2 =	vsub.f32 v5, v34;
	_ =	sdelay $0x1  }
0x9f: {  	v29 =	vld.idx.msk [tilespmem:v24+s2+$0x0], $0xffff;
	[tilespmem:$0x1FE90] =	vst v2;
	v2 =	vsub.f32 v5, v37;
	_ =	sdelay $0x1  }
0xa0: {  	[tilespmem:$0x1FEB0] =	vst v2;
	v2 =	vsub.f32 v5, v42;
	_ =	sdelay $0x1  }
0xa1: {  	v34 =	vld.idx.msk [tilespmem:v24+s17+$0x0], $0xffff;
	[tilespmem:$0x1FEC0] =	vst v2;
	v2 =	vsub.f32 v5, v9;
	_ =	sdelay $0x1  }
0xa2: {  	[tilespmem:$0x1FEE0] =	vst v2;
	v2 =	vsub.f32 v5, v48;
	_ =	sdelay $0x1  }
0xa3: {  	v9 =	vld.idx.msk [tilespmem:v1+s18+$0x0], $0xffff;
	[tilespmem:$0x1FEF0] =	vst v2;
	v2 =	vsub.f32 v5, v11;
	_ =	sdelay $0x1  }
0xa4: {  	[tilespmem:$0x1FF10] =	vst v2;
	v2 =	vsub.f32 v5, v50;
	_ =	sdelay $0x1  }
0xa5: {  	v48 =	vld.idx.msk [tilespmem:v1+s2+$0x0], $0xffff;
	[tilespmem:$0x1FF20] =	vst v2;
	v2 =	vsub.f32 v5, v58;
	_ =	sdelay $0x1  }
0xa6: {  	[tilespmem:$0x1FF30] =	vst v2  }
0xa7: {  	v11 =	vld.idx.msk [tilespmem:v1+s17+$0x0], $0xffff;
	v1 =	vsub.f32 v5, v59;
	_ =	sdelay $0x1  }
0xa8: {  	[tilespmem:$0x1FF50] =	vst v1;
	v1 =	vsub.f32 v27, v33;
	_ =	sdelay $0x1  }
0xa9: {  	v24 =	vld.idx.msk [tilespmem:v0+s1+$0x0 ss:$0x1], $0xffff;
	[tilespmem:$0x1FD20] =	vst v1;
	v1 =	vsub.f32 v27, v31  }
0xaa: {  	v2 =	vsub.f32 v27, v30  }
0xab: {  	v5 =	vld.idx.msk [tilespmem:v0+s14+$0xFFFFFFF0 ss:$0x1], $0xffff;
	[tilespmem:$0x1FD30] =	vst v1  }
0xac: {  	v1 =	vld.idx.msk [tilespmem:v0+s12+$0xFFFFFFF0 ss:$0x1], $0xffff;
	[tilespmem:$0x1FD50] =	vst v2;
	v2 =	vsub.f32 v27, v44  }
0xad: {  	v4 =	vsub.f32 v27, v46  }
0xae: {  	[tilespmem:$0x1FD40] =	vst v2  }
0xaf: {  	v2 =	vld.idx.msk [tilespmem:v0+s1+$0xFFFFFFF0 ss:$0x1], $0xffff;
	[tilespmem:$0x1FD80] =	vst v4;
	v4 =	vsub.f32 v27, v49;
	_ =	sdelay $0x1  }
0xb0: {  	v6 =	vsub.f32 v27, v56;
	[tilespmem:$0x1FD70] =	vst v4  }
0xb1: {  	v4 =	vld.idx.msk [tilespmem:v0+s13+$0xFFFFF4B0 ss:$0x1], $0xffff  }
0xb2: {  	v37 =	vsub.f32 v27, v54;
	v54 =	vld.idx.msk [tilespmem:v0+s13+$0xFFFFF5F0 ss:$0x1], $0xffff;
	[tilespmem:$0x1FDA0] =	vst v6;
	v6 =	vsub.f32 v27, v62;
	_ =	sdelay $0x1  }
0xb3: {  	v56 =	vld.idx.msk [tilespmem:v0+s13+$0xFFFFF230 ss:$0x1], $0xffff;
	[tilespmem:$0x1FDC0] =	vst v6;
	v6 =	vsub.f32 v27, v8;
	_ =	sdelay $0x1  }
0xb4: {  	[tilespmem:$0x1FDB0] =	vst v6;
	v6 =	vsub.f32 v27, v14  }
0xb5: {  	v62 =	vld.idx.msk [tilespmem:v0+s13+$0xFFFFF370 ss:$0x1], $0xffff  }
0xb6: {  	[tilespmem:$0x1FDD0] =	vst v6;
	v6 =	vld [tilespmem:$0x1FB40];
	_ =	sdelay $0x4  }
0xb7: {  	v18 =	vsub.f32 v24, v6;
	v6 =	vld [tilespmem:$0x1FB50];
	_ =	sdelay $0x1  }
0xb8: {  	v23 =	vsub.f32 v27, v32  }
0xb9: {  	v28 =	vsub.f32 v27, v40;
	v60 =	vsub.f32 v27, v60  }
0xba: {  	v42 =	vsub.f32 v27, v36;
	v31 =	vsub.f32 v27, v52;
	v27 =	vld.idx.msk [tilespmem:v0+s13+$0xFFFFEFB0 ss:$0x1], $0xffff  }
0xbb: {  	v59 =	vsub.f32 v24, v6;
	v6 =	vld [tilespmem:$0x1FB60]  }
0xbc: {  	v39 =	vsub.f32 v24, v39;
	v7 =	vld.idx.msk [tilespmem:v0+s13+$0xFFFFED30 ss:$0x1], $0xffff  }
0xbd: {  	v22 =	vsub.f32 v24, v3;
	v43 =	vsub.f32 v24, v43;
	v8 =	vld.idx.msk [tilespmem:v0+s13+$0xFFFFEE70 ss:$0x1], $0xffff  }
0xbe: {  	v45 =	vsub.f32 v24, v45;
	v58 =	vsub.f32 v24, v51;
	v51 =	vld.idx.msk [tilespmem:v4+s18+$0x0], $0xffff  }
0xbf: {  	v30 =	vsub.f32 v24, v47;
	v32 =	vsub.f32 v24, v53;
	v50 =	vld.idx.msk [tilespmem:v54+s18+$0x0], $0xffff  }
0xc0: {  	v14 =	vsub.f32 v5, v35;
	v20 =	vsub.f32 v24, v6;
	v6 =	vld.idx.msk [tilespmem:v0+s13+$0xFFFFF0F0 ss:$0x1], $0xffff  }
0xc1: {  	v55 =	vsub.f32 v24, v55;
	v40 =	vsub.f32 v24, v57;
	v36 =	vld.idx.msk [tilespmem:v56+s18+$0x0], $0xffff  }
0xc2: {  	v61 =	vsub.f32 v24, v61;
	v3 =	vld.idx.msk [tilespmem:v62+s18+$0x0], $0xffff;
	[tilespmem:$0x1FF70] =	vst v14;
	v14 =	vsub.f32 v5, v38  }
0xc3: {  	v63 =	vsub.f32 v24, v63;
	v33 =	vsub.f32 v24, v41  }
0xc4: {  	v46 =	vsub.f32 v24, v15;
	v24 =	vld.idx.msk [tilespmem:v27+s18+$0x0], $0xffff;
	[tilespmem:$0x1FF80] =	vst v14;
	v14 =	vsub.f32 v5, v16;
	_ =	sdelay $0x1  }
0xc5: {  	[tilespmem:$0x1FF90] =	vst v14;
	v14 =	vsub.f32 v5, v17  }
0xc6: {  	v13 =	vsub.f32 v5, v13  }
0xc7: {  	v12 =	vsub.f32 v5, v12;
	v16 =	vld.idx.msk [tilespmem:v6+s18+$0x0], $0xffff;
	[tilespmem:$0x1FFA0] =	vst v14  }
0xc8: {  	v10 =	vsub.f32 v5, v10;
	[tilespmem:$0x1FB70] =	vst v13  }
0xc9: {  	v9 =	vsub.f32 v5, v9;
	v13 =	vld.idx.msk [tilespmem:v7+s18+$0x0], $0xffff;
	[tilespmem:$0x1FB80] =	vst v12  }
0xca: {  	[tilespmem:$0x1FB90] =	vst v10  }
0xcb: {  	v10 =	vld.idx.msk [tilespmem:v8+s18+$0x0], $0xffff;
	[tilespmem:$0x1FBA0] =	vst v9;
	v9 =	vsub.f32 v5, v51  }
0xcc: {  	v12 =	vsub.f32 v5, v50  }
0xcd: {  	[tilespmem:$0x1FBB0] =	vst v9  }
0xce: {  	v9 =	vld.idx.msk [tilespmem:v4+s2+$0x0], $0xffff;
	[tilespmem:$0x1FBC0] =	vst v12;
	v12 =	vsub.f32 v5, v36  }
0xcf: {  	v3 =	vsub.f32 v5, v3  }
0xd0: {  	[tilespmem:$0x1FBD0] =	vst v12  }
0xd1: {  	v12 =	vld.idx.msk [tilespmem:v54+s2+$0x0], $0xffff;
	[tilespmem:$0x1FBE0] =	vst v3;
	v3 =	vsub.f32 v5, v24  }
0xd2: {  	v14 =	vsub.f32 v5, v16  }
0xd3: {  	v13 =	vsub.f32 v5, v13;
	[tilespmem:$0x1FBF0] =	vst v3  }
0xd4: {  	v3 =	vld.idx.msk [tilespmem:v56+s2+$0x0], $0xffff;
	[tilespmem:$0x1FC00] =	vst v14  }
0xd5: {  	v5 =	vsub.f32 v5, v10;
	[tilespmem:$0x1FC10] =	vst v13  }
0xd6: {  	v13 =	vld.idx.msk [tilespmem:v62+s2+$0x0], $0xffff  }
0xd7: {  	[tilespmem:$0x1FC20] =	vst v5;
	v5 =	vld [tilespmem:$0x1FC30];
	_ =	sdelay $0x4  }
0xd8: {  	v16 =	vsub.f32 v1, v5;
	v5 =	vld [tilespmem:$0x1FC40];
	_ =	sdelay $0x4  }
0xd9: {  	v21 =	vsub.f32 v1, v5;
	v5 =	vld [tilespmem:$0x1FC50];
	_ =	sdelay $0x4  }
0xda: {  	v36 =	vsub.f32 v1, v5;
	v5 =	vld [tilespmem:$0x1FC60];
	_ =	sdelay $0x4  }
0xdb: {  	v38 =	vsub.f32 v1, v5;
	v5 =	vld [tilespmem:$0x1FC70];
	_ =	sdelay $0x1  }
0xdc: {  	v10 =	vld.idx.msk [tilespmem:v27+s2+$0x0], $0xffff  }
0xdd: {  	v24 =	vld.idx.msk [tilespmem:v6+s2+$0x0], $0xffff  }
0xde: {  	v41 =	vld.idx.msk [tilespmem:v7+s2+$0x0], $0xffff  }
0xdf: {  	v50 =	vsub.f32 v1, v5;
	v5 =	vld [tilespmem:$0x1FCB0]  }
0xe0: {  	v53 =	vld.idx.msk [tilespmem:v8+s2+$0x0], $0xffff  }
0xe1: {  	v19 =	vsub.f32 v1, v19;
	v25 =	vsub.f32 v1, v29;
	v4 =	vld.idx.msk [tilespmem:v4+s17+$0x0], $0xffff  }
0xe2: {  	v48 =	vsub.f32 v1, v48;
	v26 =	vsub.f32 v1, v9;
	v54 =	vld.idx.msk [tilespmem:v54+s17+$0x0], $0xffff  }
0xe3: {  	v29 =	vsub.f32 v1, v12;
	v35 =	vld.idx.msk [tilespmem:v62+s17+$0x0], $0xffff;
	v49 =	vsub.f32 v1, v3  }
0xe4: {  	v52 =	vsub.f32 v1, v10;
	v10 =	vsub.f32 v2, v5;
	v5 =	vld [tilespmem:$0x1FCC0]  }
0xe5: {  	v12 =	vld [tilespmem:$0x1FCE0];
	v44 =	vsub.f32 v1, v13;
	v47 =	vsub.f32 v1, v24  }
0xe6: {  	v41 =	vsub.f32 v1, v41;
	v51 =	vsub.f32 v1, v53;
	v1 =	vld [tilespmem:$0x1FC80]  }
0xe7: {  	v13 =	vld [tilespmem:$0x1FD00]  }
0xe8: {  	v27 =	vld.idx.msk [tilespmem:v27+s17+$0x0], $0xffff  }
0xe9: {  	v6 =	vld.idx.msk [tilespmem:v6+s17+$0x0], $0xffff;
	v5 =	vmul.f32 v5, v5  }
0xea: {  	v3 =	vld.idx.msk [tilespmem:v56+s17+$0x0], $0xffff;
	v12 =	vmul.f32 v12, v12  }
0xeb: {  	v62 =	vsub.f32 v2, v1;
	v1 =	vld [tilespmem:$0x1FC90];
	[tilespmem:$0x1FEA0] =	vst v5  }
0xec: {  	v13 =	vmul.f32 v13, v13;
	v7 =	vld.idx.msk [tilespmem:v7+s17+$0x0], $0xffff;
	[tilespmem:$0x1FF00] =	vst v12  }
0xed: {  	v8 =	vld.idx.msk [tilespmem:v8+s17+$0x0], $0xffff  }
0xee: {  	[tilespmem:$0x1FED0] =	vst v13;
	v13 =	vsub.f32 v2, v11;
	v11 =	vsub.f32 v2, v4;
	v4 =	vld [tilespmem:$0x1FD10];
	_ =	sdelay $0x4  }
0xef: {  	v9 =	vsub.f32 v2, v1;
	v1 =	vld [tilespmem:$0x1FCA0];
	v4 =	vmul.f32 v4, v4  }
0xf0: {  	v5 =	vld [tilespmem:$0x1FCD0]  }
0xf1: {  	v14 =	vsub.f32 v2, v3;
	v3 =	vmul.f32 v23, v23;
	v12 =	vld [tilespmem:$0x1FCF0];
	[tilespmem:$0x1FF60] =	vst v4;
	v4 =	vmul.f32 v18, v18  }
0xf2: {  	v57 =	vsub.f32 v2, v34  }
0xf3: {  	v23 =	vsub.f32 v2, v6;
	v6 =	vmul.f32 v20, v20;
	v20 =	vadd.f32 v4, v3;
	v3 =	vld [tilespmem:$0x1FD20]  }
0xf4: {  	v15 =	vsub.f32 v2, v54;
	v17 =	vsub.f32 v2, v35  }
0xf5: {  	v27 =	vsub.f32 v2, v27;
	v1 =	vsub.f32 v2, v1  }
0xf6: {  	v5 =	vsub.f32 v2, v5;
	v12 =	vsub.f32 v2, v12  }
0xf7: {  	v24 =	vsub.f32 v2, v8;
	v18 =	vsub.f32 v2, v7;
	v2 =	vmul.f32 v42, v42  }
0xf8: {  	v4 =	vmul.f32 v59, v59;
	v3 =	vmul.f32 v3, v3;
	_ =	sdelay $0x1  }
0xf9: {  	v42 =	vadd.f32 v6, v2;
	v6 =	vmul.f32 v22, v22;
	v22 =	vadd.f32 v4, v3;
	v3 =	vld [tilespmem:$0x1FD30];
	_ =	sdelay $0x3  }
0xfa: {  	v2 =	vmul.f32 v28, v28  }
0xfb: {  	v4 =	vmul.f32 v39, v39;
	v3 =	vmul.f32 v3, v3  }
0xfc: {  	v53 =	vadd.f32 v6, v2;
	v2 =	vld [tilespmem:$0x1FD40]  }
0xfd: {  	v39 =	vadd.f32 v4, v3;
	v3 =	vld [tilespmem:$0x1FD50];
	_ =	sdelay $0x3  }
0xfe: {  	v6 =	vmul.f32 v45, v45;
	v2 =	vmul.f32 v2, v2  }
0xff: {  	v4 =	vmul.f32 v43, v43;
	v3 =	vmul.f32 v3, v3  }
0x100: {  	v2 =	vadd.f32 v6, v2  }
0x101: {  	v6 =	vmul.f32 v58, v58;
	v58 =	vadd.f32 v4, v3;
	v3 =	vld [tilespmem:$0x1FD80]  }
0x102: {  	[tilespmem:$0x1FD60] =	vst v2;
	v2 =	vld [tilespmem:$0x1FD70];
	_ =	sdelay $0x3  }
0x103: {  	v4 =	vmul.f32 v30, v30;
	v3 =	vmul.f32 v3, v3  }
0x104: {  	v2 =	vmul.f32 v2, v2  }
0x105: {  	v56 =	vadd.f32 v4, v3;
	v3 =	vmul.f32 v31, v31;
	v4 =	vmul.f32 v32, v32;
	_ =	sdelay $0x1  }
0x106: {  	v2 =	vadd.f32 v6, v2;
	v31 =	vadd.f32 v4, v3;
	v3 =	vld [tilespmem:$0x1FDA0];
	_ =	sdelay $0x1  }
0x107: {  	v6 =	vmul.f32 v55, v55;
	[tilespmem:$0x1FD90] =	vst v2;
	v2 =	vmul.f32 v37, v37;
	_ =	sdelay $0x1  }
0x108: {  	v34 =	vadd.f32 v6, v2;
	v2 =	vmul.f32 v60, v60;
	v6 =	vmul.f32 v61, v61  }
0x109: {  	v4 =	vmul.f32 v40, v40;
	v3 =	vmul.f32 v3, v3  }
0x10a: {  	v37 =	vadd.f32 v6, v2;
	v2 =	vld [tilespmem:$0x1FDB0]  }
0x10b: {  	v32 =	vadd.f32 v4, v3;
	v3 =	vld [tilespmem:$0x1FDC0];
	_ =	sdelay $0x3  }
0x10c: {  	v6 =	vmul.f32 v33, v33;
	v2 =	vmul.f32 v2, v2  }
0x10d: {  	v4 =	vmul.f32 v63, v63;
	v3 =	vmul.f32 v3, v3;
	_ =	sdelay $0x1  }
0x10e: {  	v35 =	vadd.f32 v6, v2;
	v6 =	vmul.f32 v62, v62;
	v62 =	vadd.f32 v4, v3;
	v3 =	vld [tilespmem:$0x1FDD0];
	_ =	sdelay $0x2  }
0x10f: {  	v1 =	vmul.f32 v1, v1  }
0x110: {  	v5 =	vmul.f32 v5, v5;
	v2 =	vmul.f32 v16, v16  }
0x111: {  	v4 =	vmul.f32 v46, v46;
	v3 =	vmul.f32 v3, v3  }
0x112: {  	v8 =	vmul.f32 v10, v10;
	v30 =	vadd.f32 v6, v2;
	v6 =	vmul.f32 v19, v19  }
0x113: {  	v7 =	vmul.f32 v9, v9;
	v2 =	vadd.f32 v4, v3;
	v4 =	vmul.f32 v21, v21  }
0x114: {  	v33 =	vadd.f32 v1, v6;
	v1 =	vmul.f32 v38, v38;
	v6 =	vmul.f32 v36, v36  }
0x115: {  	s26 =	simm.s32 $0x9C00;
	v4 =	vadd.f32 v7, v4  }
0x116: {  	v7 =	vadd.f32 v5, v1;
	v5 =	vadd.f32 v8, v6;
	v6 =	vld.idx.msk [tilespmem:v0+s26+$0xFFFFFEC0 ss:$0x1], $0xffff;
	_ =	sdelay $0x3  }
0x117: {  	v9 =	vmul.f32 v57, v57;
	v1 =	vmul.f32 v25, v25  }
0x118: {  	[tilespmem:$0x1FDE0] =	vst v6  }
0x119: {  	v6 =	vadd.f32 v9, v1;
	v9 =	vmul.f32 v11, v11;
	v11 =	vld.idx.msk [tilespmem:v0+s26+$0x0 ss:$0x1], $0xffff;
	_ =	sdelay $0x4  }
0x11a: {  	[tilespmem:$0x1FDF0] =	vst v11  }
0x11b: {  	v11 =	vld.idx.msk [tilespmem:v0+s26+$0xFFFFFC40 ss:$0x1], $0xffff;
	_ =	sdelay $0x4  }
0x11c: {  	[tilespmem:$0x1FE00] =	vst v11  }
0x11d: {  	v10 =	vmul.f32 v12, v12;
	v12 =	vmul.f32 v13, v13;
	v13 =	vld.idx.msk [tilespmem:v0+s26+$0xFFFFFD80 ss:$0x1], $0xffff;
	_ =	sdelay $0x1  }
0x11e: {  	v8 =	vmul.f32 v50, v50;
	_ =	sdelay $0x1  }
0x11f: {  	v8 =	vadd.f32 v10, v8;
	v10 =	vmul.f32 v48, v48  }
0x120: {  	[tilespmem:$0x1FE10] =	vst v13  }
0x121: {  	v43 =	vadd.f32 v12, v10;
	v12 =	vld.idx.msk [tilespmem:v0+s26+$0xFFFFF9C0 ss:$0x1], $0xffff;
	_ =	sdelay $0x3  }
0x122: {  	v1 =	vmul.f32 v26, v26  }
0x123: {  	[tilespmem:$0x1FE20] =	vst v12  }
0x124: {  	v11 =	vadd.f32 v9, v1;
	v9 =	vmul.f32 v14, v14;
	v14 =	vld.idx.msk [tilespmem:v0+s26+$0xFFFFFB00 ss:$0x1], $0xffff;
	_ =	sdelay $0x4  }
0x125: {  	[tilespmem:$0x1FE30] =	vst v14  }
0x126: {  	v14 =	vld.idx.msk [tilespmem:v0+s26+$0xFFFFF740 ss:$0x1], $0xffff  }
0x127: {  	v1 =	vmul.f32 v49, v49;
	_ =	sdelay $0x1  }
0x128: {  	v12 =	vadd.f32 v9, v1;
	v1 =	vmul.f32 v52, v52;
	v9 =	vmul.f32 v27, v27;
	_ =	sdelay $0x1  }
0x129: {  	[tilespmem:$0x1FE40] =	vst v14;
	v14 =	vadd.f32 v9, v1;
	v9 =	vmul.f32 v18, v18;
	v18 =	vld [tilespmem:$0x1FE70]  }
0x12a: {  	v1 =	vmul.f32 v41, v41;
	_ =	sdelay $0x1  }
0x12b: {  	v16 =	vadd.f32 v9, v1;
	v1 =	vmul.f32 v51, v51;
	v9 =	vmul.f32 v24, v24;
	_ =	sdelay $0x1  }
0x12c: {  	v28 =	vmul.f32 v18, v18;
	v18 =	vadd.f32 v9, v1;
	v1 =	vld [tilespmem:$0x1FE80]  }
0x12d: {  	v10 =	vmul.f32 v29, v29;
	v13 =	vmul.f32 v15, v15;
	_ =	sdelay $0x1  }
0x12e: {  	v15 =	vmul.f32 v17, v17;
	v13 =	vadd.f32 v13, v10;
	v10 =	vmul.f32 v44, v44  }
0x12f: {  	v17 =	vmul.f32 v23, v23;
	v3 =	vld.idx.msk [tilespmem:v0+s26+$0xFFFFF4C0 ss:$0x1], $0xffff  }
0x130: {  	v15 =	vadd.f32 v15, v10;
	v10 =	vmul.f32 v47, v47;
	v29 =	vmul.f32 v1, v1;
	v1 =	vld [tilespmem:$0x1FE90]  }
0x131: {  	v9 =	vld [tilespmem:$0x1FEE0]  }
0x132: {  	v17 =	vadd.f32 v17, v10;
	v10 =	vld [tilespmem:$0x1FE60]  }
0x133: {  	v45 =	vld.idx.msk [tilespmem:v0+s26+$0xFFFFF880 ss:$0x1], $0xffff  }
0x134: {  	[tilespmem:$0x1FE50] =	vst v3;
	v3 =	vld [tilespmem:$0x1FED0]  }
0x135: {  	v38 =	vmul.f32 v1, v1;
	v1 =	vld [tilespmem:$0x1FEA0]  }
0x136: {  	v55 =	vmul.f32 v9, v9;
	v9 =	vld [tilespmem:$0x1FEF0];
	_ =	sdelay $0x3  }
0x137: {  	v10 =	vmul.f32 v10, v10;
	v19 =	vadd.f32 v1, v20;
	v1 =	vld [tilespmem:$0x1FEB0]  }
0x138: {  	v20 =	vadd.f32 v3, v42;
	v42 =	vmul.f32 v9, v9;
	v9 =	vld [tilespmem:$0x1FF10]  }
0x139: {  	v21 =	vadd.f32 v10, v53;
	v10 =	vld [tilespmem:$0x1FF30]  }
0x13a: {  	v47 =	vld.idx.msk [tilespmem:v0+s26+$0xFFFFF600 ss:$0x1], $0xffff  }
0x13b: {  	v3 =	vld [tilespmem:$0x1FF00]  }
0x13c: {  	v54 =	vmul.f32 v1, v1;
	v1 =	vld [tilespmem:$0x1FEC0]  }
0x13d: {  	v59 =	vmul.f32 v9, v9;
	v9 =	vld [tilespmem:$0x1FF20]  }
0x13e: {  	v23 =	vld.idx.msk [tilespmem:v0+s26+$0xFFFFF240 ss:$0x1], $0xffff  }
0x13f: {  	v49 =	vld.idx.msk [tilespmem:v0+s26+$0xFFFFF380 ss:$0x1], $0xffff  }
0x140: {  	v50 =	vld.idx.msk [tilespmem:v0+s26+$0xFFFFF100 ss:$0x1], $0xffff  }
0x141: {  	v46 =	vadd.f32 v3, v22;
	v3 =	vmul.f32 v10, v10;
	v40 =	vmul.f32 v1, v1;
	v1 =	vld.idx.msk [tilespmem:v0+s26+$0xFFFFEFC0 ss:$0x1], $0xffff  }
0x142: {  	v60 =	vmul.f32 v9, v9;
	v9 =	vld.idx.msk [tilespmem:v0+s26+$0xFFFFED40 ss:$0x1], $0xffff  }
0x143: {  	[tilespmem:$0x1FF40] =	vst v3;
	v3 =	vld [tilespmem:$0x1FF60];
	_ =	sdelay $0x4  }
0x144: {  	v48 =	vadd.f32 v3, v39;
	v3 =	vld [tilespmem:$0x1FF70];
	_ =	sdelay $0x3  }
0x145: {  	v10 =	vld [tilespmem:$0x1FF50]  }
0x146: {  	v22 =	vmul.f32 v3, v3;
	v3 =	vld [tilespmem:$0x1FF80];
	_ =	sdelay $0x4  }
0x147: {  	v61 =	vmul.f32 v10, v10;
	v10 =	vmul.f32 v3, v3;
	v3 =	vld [tilespmem:$0x1FF90];
	_ =	sdelay $0x3  }
0x148: {  	s28 =	sadd.s32 $0x2, s4  }
0x149: {  	p1 =	slt.u32 s28, s9;
	v44 =	vmul.f32 v3, v3;
	v3 =	vld [tilespmem:$0x1FFA0]  }
.Ltmp2:
0x14a: {  	_ = 	snop;
	(pc) =	sbr.rel @!p1 .LBB2_3-.Ltmp2, $4  }
0x14b: {  	_ = 	snop  }
0x14c: {  	v51 =	vld.idx.msk [tilespmem:v0+s26+$0xFFFFEE80 ss:$0x1], $0xffff  }
0x14d: {  	s29 =	simm.s32 $0x8820;
	v41 =	vld.idx.msk [tilespmem:v0+s26+$0xFFFFFEB0 ss:$0x1], $0xffff  }
0x14e: {  	s30 =	smov.u32 s14;
	s31 =	smov.u32 s12;
	s13 =	smov.u32 s1;
	v63 =	vimm.f32 $0.0e+00;
	v52 =	vimm.f32 $0.0e+00;
	v25 =	vld.idx.msk [tilespmem:v0+s26+$0xFFFFFFF0 ss:$0x1], $0xffff;
	v24 =	vmul.f32 v3, v3  }
.LBB2_2:
0x14f: {  	v26 =	vld [tilespmem:$0x1FB70];
	_ =	sdelay $0x4  }
0x150: {  	v27 =	vmul.f32 v26, v26;
	v26 =	vld [tilespmem:$0x1FD60];
	_ =	sdelay $0x3  }
0x151: {  	v3 =	vld [tilespmem:$0x1FD90]  }
0x152: {  	[tilespmem:$0x1F720] =	vst v47;
	v47 =	vadd.f32 v29, v26;
	v26 =	vadd.f32 v28, v58;
	_ =	sdelay $0x1  }
0x153: {  	[tilespmem:$0x1F750] =	vst v26;
	v26 =	vld [tilespmem:$0x1FB80];
	_ =	sdelay $0x1  }
0x154: {  	v39 =	vadd.f32 v54, v3;
	v3 =	vadd.f32 v38, v56;
	_ =	sdelay $0x1  }
0x155: {  	[tilespmem:$0x1F730] =	vst v3;
	v3 =	vld [tilespmem:$0x1FF40]  }
0x156: {  	v53 =	vmul.f32 v26, v26;
	v26 =	vld [tilespmem:$0x1FB90];
	_ =	sdelay $0x3  }
0x157: {  	v27 =	vadd.f32 v27, v7;
	v7 =	vld [tilespmem:$0x1FC00]  }
0x158: {  	[tilespmem:$0x1F740] =	vst v45;
	v45 =	vadd.f32 v55, v34;
	v55 =	vadd.f32 v3, v35;
	v38 =	vmul.f32 v26, v26;
	v26 =	vld [tilespmem:$0x1FBA0]  }
0x159: {  	v3 =	vadd.f32 v44, v33;
	v44 =	vadd.f32 v10, v4;
	v4 =	vld [tilespmem:$0x1FBE0]  }
0x15a: {  	v53 =	vadd.f32 v53, v8;
	v8 =	vld [tilespmem:$0x1FC10]  }
0x15b: {  	v57 =	vadd.f32 v40, v31  }
0x15c: {  	v40 =	vadd.f32 v42, v32;
	v32 =	vmovc v50;
	v50 =	vadd.f32 v61, v2;
	v2 =	vld [tilespmem:$0x1FBD0];
	v7 =	vmul.f32 v7, v7  }
0x15d: {  	v58 =	vmul.f32 v26, v26;
	v26 =	vld [tilespmem:$0x1FBB0]  }
0x15e: {  	v54 =	vadd.f32 v7, v17;
	v17 =	vld [tilespmem:$0x1FE50]  }
0x15f: {  	v24 =	vadd.f32 v24, v5;
	v5 =	vld [tilespmem:$0x1FBF0];
	v4 =	vmul.f32 v4, v4;
	v8 =	vmul.f32 v8, v8  }
0x160: {  	v7 =	vld [tilespmem:$0x1FDE0]  }
0x161: {  	v4 =	vadd.f32 v4, v15;
	v15 =	vadd.f32 v8, v16;
	v8 =	vld [tilespmem:$0x1FE20]  }
0x162: {  	v42 =	vmul.f32 v26, v26;
	v26 =	vld [tilespmem:$0x1FBC0]  }
0x163: {  	v2 =	vmul.f32 v2, v2;
	v39 =	vsub.f32 v39, v17;
	v17 =	vld [tilespmem:$0x1FE40]  }
0x164: {  	v28 =	vld.idx.msk [tilespmem:v0+s26+$0xFFFFFC30 ss:$0x1], $0xffff  }
0x165: {  	v2 =	vadd.f32 v2, v12;
	v12 =	vld.idx.msk [tilespmem:v0+s26+$0xFFFFF730 ss:$0x1], $0xffff  }
0x166: {  	v59 =	vadd.f32 v59, v37;
	v16 =	vsub.f32 v21, v8;
	v8 =	vld [tilespmem:$0x1FE00]  }
0x167: {  	[tilespmem:$0x1F760] =	vst v46;
	v46 =	vadd.f32 v60, v62;
	v7 =	vsub.f32 v19, v7;
	v60 =	vmul.f32 v26, v26;
	v26 =	vld [tilespmem:$0x1FC20]  }
0x168: {  	v5 =	vmul.f32 v5, v5;
	v19 =	vsub.f32 v47, v17;
	v47 =	vsub.f32 v59, v1;
	v1 =	vld.idx.msk [tilespmem:v0+s26+$0xFFFFF370 ss:$0x1], $0xffff  }
0x169: {  	v13 =	vadd.f32 v60, v13;
	v60 =	vld.idx.msk [tilespmem:v0+s26+$0xFFFFED30 ss:$0x1], $0xffff  }
0x16a: {  	v22 =	vadd.f32 v22, v30;
	v30 =	vld.idx.msk [tilespmem:v0+s26+$0xFFFFEE70 ss:$0x1], $0xffff;
	v5 =	vadd.f32 v5, v14  }
0x16b: {  	v6 =	vadd.f32 v38, v6;
	v8 =	vsub.f32 v20, v8;
	v20 =	vld.idx.msk [tilespmem:v0+s26+$0xFFFFEFB0 ss:$0x1], $0xffff  }
0x16c: {  	v9 =	vsub.f32 v55, v9;
	v28 =	vsub.f32 v3, v28;
	v21 =	vld.idx.msk [tilespmem:v0+s26+$0xFFFFF0F0 ss:$0x1], $0xffff;
	v38 =	vmul.f32 v26, v26  }
0x16d: {  	v55 =	vsub.f32 v6, v12;
	v1 =	vsub.f32 v4, v1  }
0x16e: {  	v18 =	vadd.f32 v38, v18;
	v3 =	vsub.f32 v15, v60  }
0x16f: {  	v11 =	vadd.f32 v42, v11;
	v42 =	vadd.f32 v58, v43  }
0x170: {  	v58 =	vld.idx.msk [tilespmem:v0+s26+$0xFFFFF230 ss:$0x1], $0xffff;
	v6 =	vsub.f32 v18, v30;
	v18 =	vsub.f32 v5, v20;
	v3 =	vand.u32 $0x7FFFFFFF, v3  }
0x171: {  	v20 =	vsub.f32 v54, v21;
	v21 =	vadd.f32 v3, v63  }
0x172: {  	v15 =	vld.idx.msk [tilespmem:v0+s26+$0xFFFFF5F0 ss:$0x1], $0xffff;
	v18 =	vand.u32 $0x7FFFFFFF, v18  }
0x173: {  	v6 =	vand.u32 $0x7FFFFFFF, v6;
	v18 =	vadd.f32 v18, v21;
	v21 =	vand.u32 $0x7FFFFFFF, v1;
	v1 =	vld.idx.msk [tilespmem:v0+s29+$0xFFFFFAF0 ss:$0x1], $0xffff  }
0x174: {  	v59 =	vld.idx.msk [tilespmem:v0+s26+$0xFFFFF870 ss:$0x1], $0xffff;
	v30 =	vadd.f32 v6, v52  }
0x175: {  	v2 =	vsub.f32 v2, v58;
	v20 =	vand.u32 $0x7FFFFFFF, v20  }
0x176: {  	v62 =	vld.idx.msk [tilespmem:v0+s26+$0xFFFFFAF0 ss:$0x1], $0xffff;
	v20 =	vadd.f32 v20, v30  }
0x177: {  	v56 =	vld.idx.msk [tilespmem:v0+s26+$0xFFFFFD70 ss:$0x1], $0xffff;
	v2 =	vand.u32 $0x7FFFFFFF, v2;
	v13 =	vsub.f32 v13, v15  }
0x178: {  	v15 =	vadd.f32 v2, v18;
	v18 =	vadd.f32 v21, v20;
	[tilespmem:$0x1F770] =	vst v1;
	v1 =	vld [tilespmem:$0x1F720]  }
0x179: {  	v13 =	vand.u32 $0x7FFFFFFF, v13;
	v20 =	vsub.f32 v42, v59  }
0x17a: {  	v13 =	vadd.f32 v13, v18  }
0x17b: {  	v18 =	vand.u32 $0x7FFFFFFF, v20;
	v20 =	vsub.f32 v53, v62  }
0x17c: {  	v13 =	vadd.f32 v18, v13  }
0x17d: {  	v18 =	vand.u32 $0x7FFFFFFF, v20;
	v20 =	vsub.f32 v24, v56;
	v24 =	vsub.f32 v57, v1;
	v1 =	vld.idx.msk [tilespmem:v0+s29+$0xFFFFF870 ss:$0x1], $0xffff  }
0x17e: {  	v37 =	vld.idx.msk [tilespmem:v0+s29+$0xFFFFF9C0 ss:$0x1], $0xffff  }
0x17f: {  	v36 =	vmov v51;
	v51 =	vld.idx.msk [tilespmem:v0+s29+$0xFFFFFEC0 ss:$0x1], $0xffff  }
0x180: {  	v14 =	vld.idx.msk [tilespmem:v0+s26+$0xFFFFF4B0 ss:$0x1], $0xffff  }
0x181: {  	v34 =	vld.idx.msk [tilespmem:v0+s29+$0xFFFFFC40 ss:$0x1], $0xffff  }
0x182: {  	[tilespmem:$0x1F780] =	vst v1;
	v1 =	vld.idx.msk [tilespmem:v0+s29+$0xFFFFF4B0 ss:$0x1], $0xffff  }
0x183: {  	v31 =	vld.idx.msk [tilespmem:v0+s29+$0xFFFFFD80 ss:$0x1], $0xffff  }
0x184: {  	v35 =	vld.idx.msk [tilespmem:v0+s26+$0xFFFFF9B0 ss:$0x1], $0xffff  }
0x185: {  	v61 =	vld.idx.msk [tilespmem:v0+s29+$0xFFFFEE80 ss:$0x1], $0xffff;
	v14 =	vsub.f32 v11, v14  }
0x186: {  	v2 =	vld [tilespmem:$0x1F740]  }
0x187: {  	v14 =	vand.u32 $0x7FFFFFFF, v14;
	[tilespmem:$0x1F790] =	vst v1;
	v1 =	vld [tilespmem:$0x1F730]  }
0x188: {  	v22 =	vsub.f32 v22, v41;
	v41 =	vld.idx.msk [tilespmem:v0+s29+$0xFFFFFD70 ss:$0x1], $0xffff;
	v14 =	vadd.f32 v14, v15  }
0x189: {  	s30 =	sadd.s32 $0x20, s30;
	v29 =	vld.idx.msk [tilespmem:v0+s29+$0x0 ss:$0x1], $0xffff;
	v27 =	vsub.f32 v27, v35;
	v15 =	vand.u32 $0x7FFFFFFF, v55  }
0x18a: {  	v10 =	vld.idx.msk [tilespmem:v0+s30+$0x0 ss:$0x1], $0xffff;
	v14 =	vadd.f32 v15, v14  }
0x18b: {  	v33 =	vld.idx.msk [tilespmem:v0+s29+$0xFFFFFFF0 ss:$0x1], $0xffff;
	v15 =	vand.u32 $0x7FFFFFFF, v27  }
0x18c: {  	v14 =	vadd.f32 v15, v14;
	v15 =	vand.u32 $0x7FFFFFFF, v28;
	v28 =	vsub.f32 v1, v2;
	v1 =	vld.idx.msk [tilespmem:v0+s29+$0xFFFFF5F0 ss:$0x1], $0xffff  }
0x18d: {  	v35 =	vld.idx.msk [tilespmem:v0+s29+$0xFFFFFC30 ss:$0x1], $0xffff  }
0x18e: {  	v17 =	vmov v48;
	v48 =	vsub.f32 v45, v23;
	v23 =	vld.idx.msk [tilespmem:v0+s29+$0xFFFFF380 ss:$0x1], $0xffff  }
0x18f: {  	v45 =	vld.idx.msk [tilespmem:v0+s29+$0xFFFFEFC0 ss:$0x1], $0xffff;
	v13 =	vadd.f32 v18, v13  }
0x190: {  	v4 =	vld.idx.msk [tilespmem:v0+s29+$0xFFFFF600 ss:$0x1], $0xffff;
	v18 =	vand.u32 $0x7FFFFFFF, v20;
	v20 =	vsub.f32 v44, v25  }
0x191: {  	s13 =	sadd.s32 $0x20, s13;
	v14 =	vadd.f32 v15, v14;
	v13 =	vadd.f32 v18, v13;
	[tilespmem:$0x1F7A0] =	vst v1;
	v1 =	vld.idx.msk [tilespmem:v0+s29+$0xFFFFF230 ss:$0x1], $0xffff  }
0x192: {  	v12 =	vld.idx.msk [tilespmem:v0+s13+$0x0 ss:$0x1], $0xffff;
	v15 =	vand.u32 $0x7FFFFFFF, v22;
	v18 =	vand.u32 $0x7FFFFFFF, v20;
	v20 =	vsub.f32 v50, v36  }
0x193: {  	s31 =	sadd.s32 $0x20, s31;
	v43 =	vld.idx.msk [tilespmem:v0+s29+$0xFFFFFB00 ss:$0x1], $0xffff;
	v14 =	vadd.f32 v15, v14;
	v15 =	vadd.f32 v18, v13  }
0x194: {  	v9 =	vand.u32 $0x7FFFFFFF, v9;
	v11 =	vld.idx.msk [tilespmem:v0+s31+$0x0 ss:$0x1], $0xffff;
	v18 =	vand.u32 $0x7FFFFFFF, v20;
	v20 =	vsub.f32 v46, v32  }
0x195: {  	v9 =	vadd.f32 v9, v14;
	v14 =	vadd.f32 v18, v15;
	v2 =	vld [tilespmem:$0x1F750]  }
0x196: {  	v18 =	vand.u32 $0x7FFFFFFF, v20;
	v20 =	vsub.f32 v40, v49;
	[tilespmem:$0x1F7F0] =	vst v1;
	v1 =	vld [tilespmem:$0x1FE30]  }
0x197: {  	v26 =	vld.idx.msk [tilespmem:v0+s13+$0xFFFFFFF0 ss:$0x1], $0xffff;
	v18 =	vadd.f32 v18, v14  }
0x198: {  	v5 =	vld.idx.msk [tilespmem:v0+s29+$0xFFFFF740 ss:$0x1], $0xffff;
	v20 =	vand.u32 $0x7FFFFFFF, v20  }
0x199: {  	v54 =	vld.idx.msk [tilespmem:v4+s18+$0x0], $0xffff;
	v20 =	vadd.f32 v20, v18  }
0x19a: {  	v3 =	vld.idx.msk [tilespmem:v0+s29+$0xFFFFF4C0 ss:$0x1], $0xffff;
	v24 =	vand.u32 $0x7FFFFFFF, v24  }
0x19b: {  	v20 =	vadd.f32 v24, v20;
	v24 =	vsub.f32 v2, v1;
	v1 =	vld.idx.msk [tilespmem:v0+s29+$0xFFFFF370 ss:$0x1], $0xffff  }
0x19c: {  	v63 =	vld.idx.msk [tilespmem:v0+s29+$0xFFFFF240 ss:$0x1], $0xffff  }
0x19d: {  	v6 =	vld.idx.msk [tilespmem:v0+s29+$0xFFFFF880 ss:$0x1], $0xffff  }
0x19e: {  	v52 =	vld.idx.msk [tilespmem:v43+s2+$0x0], $0xffff  }
0x19f: {  	v42 =	vld.idx.msk [tilespmem:v0+s29+$0xFFFFF100 ss:$0x1], $0xffff  }
0x1a0: {  	[tilespmem:$0x1F800] =	vst v1;
	v1 =	vld.idx.msk [tilespmem:v0+s29+$0xFFFFEFB0 ss:$0x1], $0xffff  }
0x1a1: {  	v21 =	vand.u32 $0x7FFFFFFF, v48;
	v48 =	vld.idx.msk [tilespmem:v31+s17+$0x0], $0xffff  }
0x1a2: {  	v55 =	vld.idx.msk [tilespmem:v5+s2+$0x0], $0xffff;
	v15 =	vand.u32 $0x7FFFFFFF, v47  }
0x1a3: {  	v62 =	vld.idx.msk [tilespmem:v0+s29+$0xFFFFED40 ss:$0x1], $0xffff;
	v9 =	vadd.f32 v15, v9  }
0x1a4: {  	v53 =	vld.idx.msk [tilespmem:v3+s18+$0x0], $0xffff  }
0x1a5: {  	v9 =	vadd.f32 v21, v9;
	[tilespmem:$0x1F810] =	vst v1;
	v1 =	vld [tilespmem:$0x1FE10]  }
0x1a6: {  	v60 =	vld.idx.msk [tilespmem:v63+s18+$0x0], $0xffff;
	v21 =	vand.u32 $0x7FFFFFFF, v39  }
0x1a7: {  	v27 =	vld.idx.msk [tilespmem:v4+s2+$0x0], $0xffff;
	v9 =	vadd.f32 v21, v9  }
0x1a8: {  	v19 =	vand.u32 $0x7FFFFFFF, v19;
	v56 =	vld.idx.msk [tilespmem:v0+s29+$0xFFFFF9B0 ss:$0x1], $0xffff  }
0x1a9: {  	v58 =	vld.idx.msk [tilespmem:v6+s2+$0x0], $0xffff;
	v9 =	vadd.f32 v19, v9;
	v21 =	vand.u32 $0x7FFFFFFF, v28  }
0x1aa: {  	v19 =	vadd.f32 v21, v20;
	v21 =	vsub.f32 v17, v1;
	v1 =	vld.idx.msk [tilespmem:v0+s29+$0xFFFFF0F0 ss:$0x1], $0xffff  }
0x1ab: {  	v59 =	vld.idx.msk [tilespmem:v6+s17+$0x0], $0xffff  }
0x1ac: {  	v22 =	vld.idx.msk [tilespmem:v0+s30+$0xFFFFFFF0 ss:$0x1], $0xffff  }
0x1ad: {  	v25 =	vld.idx.msk [tilespmem:v0+s31+$0xFFFFFFF0 ss:$0x1], $0xffff  }
0x1ae: {  	v44 =	vld.idx.msk [tilespmem:v34+s2+$0x0], $0xffff  }
0x1af: {  	[tilespmem:$0x1F820] =	vst v1;
	v1 =	vld.idx.msk [tilespmem:v0+s29+$0xFFFFED30 ss:$0x1], $0xffff  }
0x1b0: {  	v57 =	vld.idx.msk [tilespmem:v5+s17+$0x0], $0xffff  }
0x1b1: {  	v36 =	vld.idx.msk [tilespmem:v43+s18+$0x0], $0xffff  }
0x1b2: {  	v50 =	vld.idx.msk [tilespmem:v6+s18+$0x0], $0xffff  }
0x1b3: {  	v2 =	vld [tilespmem:$0x1F760]  }
0x1b4: {  	[tilespmem:$0x1F840] =	vst v1;
	v1 =	vld [tilespmem:$0x1FDF0]  }
0x1b5: {  	v6 =	vld.idx.msk [tilespmem:v33+s18+$0x0], $0xffff  }
0x1b6: {  	v46 =	vld.idx.msk [tilespmem:v31+s2+$0x0], $0xffff  }
0x1b7: {  	v16 =	vand.u32 $0x7FFFFFFF, v16;
	v32 =	vld.idx.msk [tilespmem:v45+s18+$0x0], $0xffff  }
0x1b8: {  	v30 =	vld.idx.msk [tilespmem:v62+s18+$0x0], $0xffff;
	v9 =	vadd.f32 v16, v9;
	v20 =	vand.u32 $0x7FFFFFFF, v24  }
0x1b9: {  	v16 =	vadd.f32 v20, v19;
	v20 =	vsub.f32 v2, v1;
	v1 =	vld.idx.msk [tilespmem:v0+s29+$0xFFFFEE70 ss:$0x1], $0xffff  }
0x1ba: {  	v13 =	vld.idx.msk [tilespmem:v61+s18+$0x0], $0xffff  }
0x1bb: {  	v8 =	vand.u32 $0x7FFFFFFF, v8;
	v49 =	vld.idx.msk [tilespmem:v5+s18+$0x0], $0xffff  }
0x1bc: {  	v40 =	vld.idx.msk [tilespmem:v3+s2+$0x0], $0xffff;
	v8 =	vadd.f32 v8, v9  }
0x1bd: {  	v7 =	vand.u32 $0x7FFFFFFF, v7;
	v5 =	vld.idx.msk [tilespmem:v62+s2+$0x0], $0xffff;
	v19 =	vand.u32 $0x7FFFFFFF, v21  }
0x1be: {  	v15 =	vld.idx.msk [tilespmem:v3+s17+$0x0], $0xffff;
	v9 =	vadd.f32 v19, v16;
	[tilespmem:$0x1F870] =	vst v1;
	v1 =	vadd.f32 v7, v8  }
0x1bf: {  	v14 =	vld.idx.msk [tilespmem:v23+s17+$0x0], $0xffff;
	v19 =	vand.u32 $0x7FFFFFFF, v20  }
0x1c0: {  	v39 =	vld.idx.msk [tilespmem:v23+s18+$0x0], $0xffff;
	[tilespmem:$0x1FAF0] =	vst v1;
	v1 =	vadd.f32 v19, v9  }
0x1c1: {  	v18 =	vld.idx.msk [tilespmem:v51+s18+$0x0], $0xffff  }
0x1c2: {  	[tilespmem:$0x1FA40] =	vst v1;
	v1 =	vld.idx.msk [tilespmem:v34+s18+$0x0], $0xffff  }
0x1c3: {  	v28 =	vld.idx.msk [tilespmem:v29+s17+$0x0], $0xffff  }
0x1c4: {  	v7 =	vld.idx.msk [tilespmem:v31+s18+$0x0], $0xffff  }
0x1c5: {  	v24 =	vld.idx.msk [tilespmem:v29+s2+$0x0], $0xffff  }
0x1c6: {  	v8 =	vld.idx.msk [tilespmem:v51+s2+$0x0], $0xffff  }
0x1c7: {  	v17 =	vld.idx.msk [tilespmem:v42+s18+$0x0], $0xffff;
	v1 =	vsub.f32 v10, v1  }
0x1c8: {  	v21 =	vld.idx.msk [tilespmem:v51+s17+$0x0], $0xffff  }
0x1c9: {  	v51 =	vld.idx.msk [tilespmem:v37+s2+$0x0], $0xffff;
	[tilespmem:$0x1F7C0] =	vst v1;
	v1 =	vsub.f32 v10, v7  }
0x1ca: {  	v16 =	vld.idx.msk [tilespmem:v4+s17+$0x0], $0xffff  }
0x1cb: {  	v4 =	vld.idx.msk [tilespmem:v62+s17+$0x0], $0xffff;
	[tilespmem:$0x1F7D0] =	vst v1;
	v1 =	vsub.f32 v11, v8  }
0x1cc: {  	v9 =	vld.idx.msk [tilespmem:v45+s2+$0x0], $0xffff  }
0x1cd: {  	v17 =	vsub.f32 v10, v17;
	[tilespmem:$0x1F7E0] =	vst v1;
	v1 =	vld.idx.msk [tilespmem:v35+s18+$0x0], $0xffff  }
0x1ce: {  	v8 =	vld.idx.msk [tilespmem:v45+s17+$0x0], $0xffff;
	v45 =	vsub.f32 v10, v49;
	v49 =	vsub.f32 v11, v51  }
0x1cf: {  	v51 =	vsub.f32 v10, v53;
	v53 =	vsub.f32 v11, v58;
	v58 =	vld.idx.msk [tilespmem:v41+s18+$0x0], $0xffff  }
0x1d0: {  	v27 =	vsub.f32 v11, v27;
	[tilespmem:$0x1F860] =	vst v17;
	v17 =	vld.idx.msk [tilespmem:v33+s17+$0x0], $0xffff  }
0x1d1: {  	v20 =	vld.idx.msk [tilespmem:v23+s2+$0x0], $0xffff  }
0x1d2: {  	[tilespmem:$0x1F830] =	vst v27;
	v27 =	vsub.f32 v12, v16;
	v16 =	vld.idx.msk [tilespmem:v33+s2+$0x0], $0xffff;
	v1 =	vsub.f32 v22, v1  }
0x1d3: {  	v2 =	vld.idx.msk [tilespmem:v29+s18+$0x0], $0xffff  }
0x1d4: {  	v36 =	vsub.f32 v10, v36;
	v29 =	vld.idx.msk [tilespmem:v37+s18+$0x0], $0xffff;
	[tilespmem:$0x1FAB0] =	vst v1;
	v1 =	vsub.f32 v22, v58  }
0x1d5: {  	v32 =	vsub.f32 v10, v32;
	v4 =	vsub.f32 v12, v4;
	v31 =	vld.idx.msk [tilespmem:v63+s2+$0x0], $0xffff  }
0x1d6: {  	v30 =	vsub.f32 v10, v30;
	v20 =	vsub.f32 v11, v20;
	[tilespmem:$0x1FB00] =	vst v1;
	v1 =	vld.idx.msk [tilespmem:v56+s2+$0x0], $0xffff  }
0x1d7: {  	v14 =	vsub.f32 v12, v14;
	[tilespmem:$0x1F900] =	vst v4;
	v4 =	vsub.f32 v25, v16;
	v19 =	vld.idx.msk [tilespmem:v63+s17+$0x0], $0xffff  }
0x1d8: {  	v62 =	vsub.f32 v11, v55;
	v2 =	vsub.f32 v10, v2;
	[tilespmem:$0x1F880] =	vst v20;
	v20 =	vld [tilespmem:$0x1F770]  }
0x1d9: {  	v3 =	vld.idx.msk [tilespmem:v61+s2+$0x0], $0xffff;
	v55 =	vsub.f32 v10, v39;
	[tilespmem:$0x1F950] =	vst v4;
	v63 =	vsub.f32 v10, v18  }
0x1da: {  	v4 =	vsub.f32 v26, v17;
	v29 =	vsub.f32 v10, v29;
	[tilespmem:$0x1F7B0] =	vst v2;
	v18 =	vld.idx.msk [tilespmem:v42+s2+$0x0], $0xffff  }
0x1db: {  	v2 =	vld.idx.msk [tilespmem:v61+s17+$0x0], $0xffff;
	v61 =	vsub.f32 v12, v59;
	v59 =	vsub.f32 v25, v1;
	v1 =	vmul.f32 v63, v63  }
0x1dc: {  	v33 =	vsub.f32 v11, v31;
	v31 =	vsub.f32 v12, v19;
	v7 =	vld.idx.msk [tilespmem:v42+s17+$0x0], $0xffff  }
0x1dd: {  	v42 =	vsub.f32 v11, v44;
	v44 =	vsub.f32 v11, v46;
	[tilespmem:$0x1FA90] =	vst v1;
	v1 =	vld [tilespmem:$0x1F7B0]  }
0x1de: {  	v19 =	vld.idx.msk [tilespmem:v56+s18+$0x0], $0xffff;
	v46 =	vsub.f32 v12, v48;
	v48 =	vsub.f32 v10, v50  }
0x1df: {  	v50 =	vsub.f32 v11, v52;
	v52 =	vsub.f32 v10, v54  }
0x1e0: {  	[tilespmem:$0x1F890] =	vst v14;
	v54 =	vsub.f32 v10, v60;
	v14 =	vld.idx.msk [tilespmem:v20+s18+$0x0], $0xffff;
	v10 =	vsub.f32 v10, v13  }
0x1e1: {  	[tilespmem:$0x1F960] =	vst v4;
	v13 =	vld.idx.msk [tilespmem:v35+s2+$0x0], $0xffff;
	v8 =	vsub.f32 v12, v8  }
0x1e2: {  	[tilespmem:$0x1F8B0] =	vst v10;
	v10 =	vld [tilespmem:$0x1F780];
	v1 =	vmul.f32 v1, v1  }
0x1e3: {  	v4 =	vsub.f32 v22, v19;
	[tilespmem:$0x1F8D0] =	vst v8;
	v8 =	vld.idx.msk [tilespmem:v35+s17+$0x0], $0xffff  }
0x1e4: {  	[tilespmem:$0x1FAE0] =	vst v1;
	v1 =	vld [tilespmem:$0x1F7C0]  }
0x1e5: {  	[tilespmem:$0x1FB70] =	vst v4;
	v4 =	vsub.f32 v22, v14  }
0x1e6: {  	v47 =	vld.idx.msk [tilespmem:v0+s29+$0xFFFFF730 ss:$0x1], $0xffff  }
0x1e7: {  	[tilespmem:$0x1FB80] =	vst v4;
	v4 =	vsub.f32 v25, v13  }
0x1e8: {  	v38 =	vld.idx.msk [tilespmem:v0+s29+$0xFFFFFEB0 ss:$0x1], $0xffff;
	v7 =	vsub.f32 v12, v7  }
0x1e9: {  	[tilespmem:$0x1F970] =	vst v4;
	v4 =	vsub.f32 v26, v8;
	v8 =	vld [tilespmem:$0x1F790];
	v1 =	vmul.f32 v1, v1  }
0x1ea: {  	v2 =	vsub.f32 v12, v2;
	[tilespmem:$0x1F8E0] =	vst v7;
	v7 =	vld.idx.msk [tilespmem:v41+s2+$0x0], $0xffff  }
0x1eb: {  	v6 =	vsub.f32 v22, v6;
	[tilespmem:$0x1FAC0] =	vst v1;
	v1 =	vld [tilespmem:$0x1F7D0]  }
0x1ec: {  	v5 =	vsub.f32 v11, v5;
	[tilespmem:$0x1F920] =	vst v2;
	v2 =	vld.idx.msk [tilespmem:v10+s18+$0x0], $0xffff  }
0x1ed: {  	[tilespmem:$0x1FA80] =	vst v6;
	v6 =	vld.idx.msk [tilespmem:v41+s17+$0x0], $0xffff  }
0x1ee: {  	v3 =	vsub.f32 v11, v3;
	[tilespmem:$0x1F8F0] =	vst v5;
	v5 =	vld.idx.msk [tilespmem:v47+s18+$0x0], $0xffff  }
0x1ef: {  	[tilespmem:$0x1F980] =	vst v4;
	v4 =	vsub.f32 v25, v7;
	v7 =	vld [tilespmem:$0x1F7A0]  }
0x1f0: {  	[tilespmem:$0x1F910] =	vst v3;
	v24 =	vsub.f32 v11, v24;
	v39 =	vld.idx.msk [tilespmem:v38+s2+$0x0], $0xffff;
	v1 =	vmul.f32 v1, v1  }
0x1f1: {  	v2 =	vsub.f32 v22, v2;
	[tilespmem:$0x1F990] =	vst v4;
	v17 =	vld.idx.msk [tilespmem:v8+s18+$0x0], $0xffff  }
0x1f2: {  	v28 =	vsub.f32 v12, v28;
	v60 =	vld.idx.msk [tilespmem:v38+s17+$0x0], $0xffff;
	[tilespmem:$0x1FB30] =	vst v1;
	v1 =	vmul.f32 v24, v24  }
0x1f3: {  	v4 =	vsub.f32 v22, v5;
	[tilespmem:$0x1FBA0] =	vst v2  }
0x1f4: {  	v2 =	vld [tilespmem:$0x1F7E0];
	[tilespmem:$0x1F9C0] =	vst v1;
	v1 =	vmul.f32 v28, v28  }
0x1f5: {  	v3 =	vsub.f32 v25, v39;
	[tilespmem:$0x1FB90] =	vst v4  }
0x1f6: {  	v4 =	vld [tilespmem:$0x1F7F0];
	[tilespmem:$0x1F9D0] =	vst v1;
	v1 =	vsub.f32 v22, v17  }
0x1f7: {  	[tilespmem:$0x1F930] =	vst v3;
	v3 =	vsub.f32 v26, v60;
	v60 =	vsub.f32 v26, v6;
	v6 =	vld.idx.msk [tilespmem:v7+s18+$0x0], $0xffff  }
0x1f8: {  	[tilespmem:$0x1FBB0] =	vst v1;
	v1 =	vmul.f32 v29, v29  }
0x1f9: {  	v21 =	vsub.f32 v12, v21;
	[tilespmem:$0x1F940] =	vst v3;
	v2 =	vmul.f32 v2, v2  }
0x1fa: {  	v3 =	vld.idx.msk [tilespmem:v56+s17+$0x0], $0xffff;
	[tilespmem:$0x1FB10] =	vst v1;
	v1 =	vmul.f32 v36, v36  }
0x1fb: {  	[tilespmem:$0x1F9A0] =	vst v2;
	v2 =	vmul.f32 v21, v21  }
0x1fc: {  	[tilespmem:$0x1FAA0] =	vst v1;
	v1 =	vsub.f32 v22, v6  }
0x1fd: {  	[tilespmem:$0x1F9B0] =	vst v2;
	v2 =	vld [tilespmem:$0x1F800]  }
0x1fe: {  	[tilespmem:$0x1FBC0] =	vst v1;
	v1 =	vmul.f32 v45, v45  }
0x1ff: {  	v16 =	vsub.f32 v26, v3;
	v3 =	vmul.f32 v44, v44;
	v24 =	vld.idx.msk [tilespmem:v4+s18+$0x0], $0xffff  }
0x200: {  	[tilespmem:$0x1FA60] =	vst v1;
	v1 =	vmul.f32 v48, v48  }
0x201: {  	[tilespmem:$0x1F9E0] =	vst v3;
	v3 =	vmul.f32 v46, v46  }
0x202: {  	[tilespmem:$0x1FA50] =	vst v1;
	v1 =	vmul.f32 v50, v50  }
0x203: {  	[tilespmem:$0x1F9F0] =	vst v3  }
0x204: {  	v3 =	vld [tilespmem:$0x1F810];
	[tilespmem:$0x1FA00] =	vst v1;
	v1 =	vsub.f32 v22, v24  }
0x205: {  	v17 =	vld.idx.msk [tilespmem:v2+s18+$0x0], $0xffff  }
0x206: {  	[tilespmem:$0x1FBD0] =	vst v1;
	v1 =	vmul.f32 v51, v51;
	_ =	sdelay $0x1  }
0x207: {  	[tilespmem:$0x1FA30] =	vst v1;
	v1 =	vmul.f32 v52, v52;
	_ =	sdelay $0x1  }
0x208: {  	[tilespmem:$0x1FA10] =	vst v1;
	v1 =	vsub.f32 v22, v17;
	_ =	sdelay $0x1  }
0x209: {  	[tilespmem:$0x1FBE0] =	vst v1;
	v1 =	vmul.f32 v54, v54  }
0x20a: {  	v58 =	vmul.f32 v49, v49;
	v49 =	vld.idx.msk [tilespmem:v3+s18+$0x0], $0xffff  }
0x20b: {  	[tilespmem:$0x1FA20] =	vst v1;
	v1 =	vld [tilespmem:$0x1F830]  }
0x20c: {  	v23 =	vld.idx.msk [tilespmem:v38+s18+$0x0], $0xffff;
	_ =	sdelay $0x1  }
0x20d: {  	v43 =	vld.idx.msk [tilespmem:v43+s17+$0x0], $0xffff  }
0x20e: {  	v9 =	vsub.f32 v11, v9;
	v28 =	vld.idx.msk [tilespmem:v8+s2+$0x0], $0xffff  }
0x20f: {  	[tilespmem:$0x1F850] =	vst v32;
	v29 =	vld.idx.msk [tilespmem:v8+s17+$0x0], $0xffff;
	v8 =	vmul.f32 v1, v1;
	v1 =	vsub.f32 v22, v49  }
0x210: {  	[tilespmem:$0x1F8C0] =	vst v9;
	v9 =	vsub.f32 v22, v23  }
0x211: {  	[tilespmem:$0x1FBF0] =	vst v1;
	v1 =	vld [tilespmem:$0x1F850]  }
0x212: {  	[tilespmem:$0x1FA70] =	vst v9;
	v9 =	vld.idx.msk [tilespmem:v20+s2+$0x0], $0xffff  }
0x213: {  	v14 =	vld.idx.msk [tilespmem:v20+s17+$0x0], $0xffff  }
0x214: {  	v43 =	vsub.f32 v12, v43;
	v20 =	vld.idx.msk [tilespmem:v10+s2+$0x0], $0xffff  }
0x215: {  	v21 =	vld.idx.msk [tilespmem:v10+s17+$0x0], $0xffff  }
0x216: {  	v10 =	vmul.f32 v43, v43;
	v43 =	vmul.f32 v1, v1;
	v1 =	vld [tilespmem:$0x1F860];
	_ =	sdelay $0x4  }
0x217: {  	v6 =	vmul.f32 v1, v1;
	v1 =	vmov v3;
	_ =	sdelay $0x2  }
0x218: {  	v32 =	vld [tilespmem:$0x1F820]  }
0x219: {  	v49 =	vld.idx.msk [tilespmem:v3+s2+$0x0], $0xffff  }
0x21a: {  	[tilespmem:$0x1F8A0] =	vst v30;
	v30 =	vld.idx.msk [tilespmem:v1+s17+$0x0], $0xffff  }
0x21b: {  	v1 =	vld [tilespmem:$0x1F8A0]  }
0x21c: {  	v3 =	vld [tilespmem:$0x1F880];
	_ =	sdelay $0x1  }
0x21d: {  	v37 =	vld.idx.msk [tilespmem:v37+s17+$0x0], $0xffff  }
0x21e: {  	v34 =	vld.idx.msk [tilespmem:v34+s17+$0x0], $0xffff  }
0x21f: {  	v24 =	vld.idx.msk [tilespmem:v32+s18+$0x0], $0xffff;
	v1 =	vmul.f32 v1, v1  }
0x220: {  	[tilespmem:$0x1FAD0] =	vst v6;
	v6 =	vmul.f32 v3, v3;
	v3 =	vld [tilespmem:$0x1F890]  }
0x221: {  	[tilespmem:$0x1FF40] =	vst v1;
	v1 =	vld [tilespmem:$0x1F8B0]  }
0x222: {  	v57 =	vsub.f32 v12, v57;
	v15 =	vsub.f32 v12, v15;
	v23 =	vld [tilespmem:$0x1F840]  }
0x223: {  	v37 =	vsub.f32 v12, v37;
	v34 =	vsub.f32 v12, v34;
	v12 =	vmul.f32 v53, v53;
	v53 =	vld.idx.msk [tilespmem:v4+s17+$0x0], $0xffff  }
0x224: {  	v50 =	vld.idx.msk [tilespmem:v4+s2+$0x0], $0xffff;
	v4 =	vsub.f32 v22, v24;
	_ =	sdelay $0x1  }
0x225: {  	[tilespmem:$0x1FC00] =	vst v4;
	v4 =	vmul.f32 v3, v3;
	v3 =	vmul.f32 v1, v1;
	v1 =	vmov v32;
	_ =	sdelay $0x3  }
0x226: {  	v17 =	vmul.f32 v62, v62;
	v62 =	vld.idx.msk [tilespmem:v23+s18+$0x0], $0xffff  }
0x227: {  	v54 =	vld.idx.msk [tilespmem:v1+s17+$0x0], $0xffff  }
0x228: {  	v1 =	vld [tilespmem:$0x1F8E0]  }
0x229: {  	v40 =	vsub.f32 v11, v40;
	_ =	sdelay $0x1  }
0x22a: {  	v5 =	vmul.f32 v40, v40;
	v40 =	vld [tilespmem:$0x1F870]  }
0x22b: {  	v41 =	vsub.f32 v26, v14  }
0x22c: {  	v14 =	vmul.f32 v42, v42;
	v42 =	vmul.f32 v1, v1;
	v1 =	vsub.f32 v22, v62;
	_ =	sdelay $0x1  }
0x22d: {  	[tilespmem:$0x1FC10] =	vst v1;
	v1 =	vld [tilespmem:$0x1F8F0];
	_ =	sdelay $0x3  }
0x22e: {  	v48 =	vld.idx.msk [tilespmem:v40+s18+$0x0], $0xffff  }
0x22f: {  	v62 =	vmul.f32 v1, v1;
	v1 =	vld [tilespmem:$0x1F900]  }
0x230: {  	[tilespmem:$0x1FB20] =	vst v3;
	v3 =	vld [tilespmem:$0x1F8C0];
	_ =	sdelay $0x1  }
0x231: {  	v38 =	vsub.f32 v11, v18;
	v18 =	vld.idx.msk [tilespmem:v47+s2+$0x0], $0xffff  }
0x232: {  	v19 =	vld.idx.msk [tilespmem:v47+s17+$0x0], $0xffff  }
0x233: {  	v47 =	vld.idx.msk [tilespmem:v2+s2+$0x0], $0xffff;
	v45 =	vmul.f32 v1, v1;
	v1 =	vsub.f32 v22, v48  }
0x234: {  	v35 =	vmul.f32 v3, v3;
	v3 =	vld [tilespmem:$0x1F8D0]  }
0x235: {  	[tilespmem:$0x1FC20] =	vst v1;
	v1 =	vld [tilespmem:$0x1F910];
	_ =	sdelay $0x1  }
0x236: {  	v63 =	vld.idx.msk [tilespmem:v7+s17+$0x0], $0xffff  }
0x237: {  	v11 =	vmul.f32 v34, v34;
	v34 =	vsub.f32 v26, v53;
	v53 =	vld.idx.msk [tilespmem:v32+s2+$0x0], $0xffff  }
0x238: {  	v15 =	vmul.f32 v15, v15;
	v32 =	vsub.f32 v25, v47;
	v47 =	vmul.f32 v3, v3;
	v3 =	vld [tilespmem:$0x1F930]  }
0x239: {  	v22 =	vmul.f32 v1, v1;
	v1 =	vld [tilespmem:$0x1F920]  }
0x23a: {  	v39 =	vmul.f32 v38, v38;
	v38 =	vld.idx.msk [tilespmem:v23+s17+$0x0], $0xffff;
	v5 =	vadd.f32 v15, v5  }
0x23b: {  	s26 =	sadd.s32 $0x20, s26;
	v36 =	vld.idx.msk [tilespmem:v7+s2+$0x0], $0xffff;
	v7 =	vmul.f32 v57, v57  }
0x23c: {  	[tilespmem:$0x1FD90] =	vst v5;
	v5 =	vld.idx.msk [tilespmem:v0+s26+$0xFFFFFD80 ss:$0x1], $0xffff  }
0x23d: {  	v56 =	vmul.f32 v61, v61;
	v61 =	vsub.f32 v26, v63;
	v63 =	vld.idx.msk [tilespmem:v40+s2+$0x0], $0xffff;
	v7 =	vadd.f32 v7, v17  }
0x23e: {  	v46 =	vmul.f32 v1, v1;
	v1 =	vmov v40;
	v40 =	vmul.f32 v3, v3;
	v3 =	vld [tilespmem:$0x1F940]  }
0x23f: {  	[tilespmem:$0x1FD60] =	vst v7;
	v7 =	vld [tilespmem:$0x1FA00]  }
0x240: {  	v13 =	vsub.f32 v25, v9;
	v9 =	vmul.f32 v37, v37;
	v37 =	vld.idx.msk [tilespmem:v2+s17+$0x0], $0xffff  }
0x241: {  	v2 =	vmul.f32 v31, v31;
	v57 =	vld.idx.msk [tilespmem:v23+s2+$0x0], $0xffff;
	v24 =	vmul.f32 v33, v33  }
0x242: {  	v23 =	vmul.f32 v60, v60;
	v60 =	vadd.f32 v11, v14;
	v11 =	vld.idx.msk [tilespmem:v0+s26+$0xFFFFFEC0 ss:$0x1], $0xffff;
	v14 =	vmul.f32 v61, v61  }
0x243: {  	v61 =	vadd.f32 v9, v58;
	v33 =	vsub.f32 v25, v49;
	v49 =	vmul.f32 v3, v3;
	v3 =	vld [tilespmem:$0x1F970]  }
0x244: {  	v58 =	vadd.f32 v10, v7;
	v10 =	vmul.f32 v34, v34;
	v34 =	vadd.f32 v2, v24;
	v2 =	vld.idx.msk [tilespmem:v0+s26+$0xFFFFF9C0 ss:$0x1], $0xffff  }
0x245: {  	v20 =	vsub.f32 v25, v20;
	v7 =	vld.idx.msk [tilespmem:v0+s26+$0xFFFFFC40 ss:$0x1], $0xffff  }
0x246: {  	v44 =	vmul.f32 v55, v55;
	v59 =	vmul.f32 v59, v59;
	v21 =	vsub.f32 v26, v21;
	v9 =	vld [tilespmem:$0x1F9F0]  }
0x247: {  	v16 =	vmul.f32 v16, v16;
	v20 =	vmul.f32 v20, v20;
	[tilespmem:$0x1FDE0] =	vst v11;
	v11 =	vld [tilespmem:$0x1F9D0]  }
0x248: {  	v18 =	vsub.f32 v25, v18;
	v21 =	vmul.f32 v21, v21;
	v55 =	vmul.f32 v3, v3;
	v3 =	vld [tilespmem:$0x1F980]  }
0x249: {  	v19 =	vsub.f32 v26, v19;
	v38 =	vsub.f32 v26, v38;
	[tilespmem:$0x1FE20] =	vst v2;
	v2 =	vld.idx.msk [tilespmem:v0+s26+$0xFFFFFB00 ss:$0x1], $0xffff  }
0x24a: {  	[tilespmem:$0x1FE00] =	vst v7;
	v7 =	vadd.f32 v16, v59;
	v59 =	vmov v43;
	v43 =	vadd.f32 v21, v20;
	v20 =	vld [tilespmem:$0x1FAB0]  }
0x24b: {  	v18 =	vmul.f32 v18, v18;
	v53 =	vsub.f32 v25, v53;
	v37 =	vsub.f32 v26, v37;
	v21 =	vld [tilespmem:$0x1FAE0]  }
0x24c: {  	v19 =	vmul.f32 v19, v19;
	v28 =	vsub.f32 v25, v28;
	v29 =	vsub.f32 v26, v29;
	v48 =	vld.idx.msk [tilespmem:v1+s17+$0x0], $0xffff  }
0x24d: {  	v36 =	vsub.f32 v25, v36;
	v57 =	vsub.f32 v25, v57;
	v51 =	vmul.f32 v3, v3;
	v3 =	vld [tilespmem:$0x1F990]  }
0x24e: {  	v31 =	vsub.f32 v25, v50;
	[tilespmem:$0x1FE30] =	vst v2;
	v2 =	vld.idx.msk [tilespmem:v0+s26+$0xFFFFF740 ss:$0x1], $0xffff;
	v15 =	vmul.f32 v32, v32  }
0x24f: {  	v32 =	vadd.f32 v4, v6;
	v6 =	vadd.f32 v19, v18;
	v18 =	vmul.f32 v38, v38;
	v38 =	vld [tilespmem:$0x1FA50]  }
0x250: {  	v30 =	vsub.f32 v26, v30;
	v25 =	vsub.f32 v25, v63;
	v1 =	vld [tilespmem:$0x1F950]  }
0x251: {  	v54 =	vsub.f32 v26, v54;
	v26 =	vsub.f32 v26, v48;
	v48 =	vmul.f32 v28, v28;
	v28 =	vld [tilespmem:$0x1F9B0]  }
0x252: {  	v52 =	vmul.f32 v3, v3;
	v3 =	vld [tilespmem:$0x1F9A0]  }
0x253: {  	v19 =	vmul.f32 v25, v25;
	v25 =	vld.idx.msk [tilespmem:v0+s26+$0xFFFFFFF0 ss:$0x1], $0xffff  }
0x254: {  	v17 =	vmul.f32 v37, v37;
	v37 =	vadd.f32 v47, v35;
	v47 =	vld.idx.msk [tilespmem:v0+s26+$0xFFFFF600 ss:$0x1], $0xffff  }
0x255: {  	v35 =	vadd.f32 v45, v62;
	v62 =	vadd.f32 v42, v39;
	v42 =	vmovc v44;
	v44 =	vmul.f32 v20, v20;
	v20 =	vld [tilespmem:$0x1FAC0]  }
0x256: {  	v50 =	vmul.f32 v1, v1;
	v1 =	vld [tilespmem:$0x1F960]  }
0x257: {  	v28 =	vadd.f32 v28, v3;
	v3 =	vld [tilespmem:$0x1F9C0]  }
0x258: {  	v45 =	vld.idx.msk [tilespmem:v0+s26+$0xFFFFF880 ss:$0x1], $0xffff  }
0x259: {  	v39 =	vmul.f32 v54, v54;
	v54 =	vld [tilespmem:$0x1FA30]  }
0x25a: {  	v20 =	vadd.f32 v20, v60;
	v60 =	vld [tilespmem:$0x1FAD0]  }
0x25b: {  	v24 =	vmul.f32 v33, v33;
	v1 =	vmul.f32 v1, v1;
	v33 =	vadd.f32 v51, v55;
	v55 =	vld [tilespmem:$0x1FA20]  }
0x25c: {  	v63 =	vadd.f32 v11, v3;
	v3 =	vld [tilespmem:$0x1F9E0]  }
0x25d: {  	v4 =	vadd.f32 v1, v50;
	v1 =	vld.idx.msk [tilespmem:v0+s26+$0xFFFFF4C0 ss:$0x1], $0xffff  }
0x25e: {  	v50 =	vld.idx.msk [tilespmem:v0+s26+$0xFFFFF100 ss:$0x1], $0xffff  }
0x25f: {  	v51 =	vld.idx.msk [tilespmem:v0+s26+$0xFFFFEE80 ss:$0x1], $0xffff  }
0x260: {  	[tilespmem:$0x1FE10] =	vst v5;
	v5 =	vadd.f32 v23, v52;
	v52 =	vld [tilespmem:$0x1FA40]  }
0x261: {  	v3 =	vadd.f32 v9, v3;
	v9 =	vld.idx.msk [tilespmem:v0+s26+$0x0 ss:$0x1], $0xffff  }
0x262: {  	v23 =	vld.idx.msk [tilespmem:v0+s26+$0xFFFFF240 ss:$0x1], $0xffff  }
0x263: {  	v27 =	vmul.f32 v27, v27;
	v29 =	vmul.f32 v29, v29;
	[tilespmem:$0x1FE50] =	vst v1;
	v1 =	vld.idx.msk [tilespmem:v0+s26+$0xFFFFEFC0 ss:$0x1], $0xffff  }
0x264: {  	v13 =	vmul.f32 v13, v13;
	[tilespmem:$0x1FE40] =	vst v2;
	v2 =	vadd.f32 v46, v22;
	v46 =	vadd.f32 v21, v63;
	v21 =	vld [tilespmem:$0x1FB00]  }
0x265: {  	v41 =	vmul.f32 v41, v41;
	v56 =	vadd.f32 v56, v12;
	v11 =	vadd.f32 v29, v48;
	v29 =	vld [tilespmem:$0x1FA60]  }
0x266: {  	v36 =	vmul.f32 v36, v36;
	v63 =	vld [tilespmem:$0x1FAF0];
	[tilespmem:$0x1FDF0] =	vst v9;
	v9 =	vmul.f32 v31, v31;
	v31 =	vadd.f32 v27, v8  }
0x267: {  	v27 =	vmul.f32 v30, v30;
	v30 =	vadd.f32 v49, v40;
	v40 =	vld [tilespmem:$0x1FA10];
	v8 =	vadd.f32 v41, v13  }
0x268: {  	v16 =	vmul.f32 v57, v57;
	v13 =	vadd.f32 v14, v36;
	v12 =	vadd.f32 v10, v9;
	v9 =	vld [tilespmem:$0x1FA70]  }
0x269: {  	v10 =	vmul.f32 v26, v26;
	v14 =	vadd.f32 v27, v24;
	v24 =	vmul.f32 v21, v21;
	v21 =	vld [tilespmem:$0x1FB10]  }
0x26a: {  	v26 =	vld [tilespmem:$0x1FB30]  }
0x26b: {  	s28 =	sadd.s32 $0x2, s28;
	v16 =	vadd.f32 v18, v16;
	v18 =	vadd.f32 v10, v19;
	v10 =	vld [tilespmem:$0x1FA80]  }
0x26c: {  	p1 =	slt.u32 s28, s9;
	v19 =	vld [tilespmem:$0x1FA90]  }
.Ltmp3:
0x26d: {  	v22 =	vmul.f32 v53, v53;
	v49 =	vld.idx.msk [tilespmem:v0+s26+$0xFFFFF380 ss:$0x1], $0xffff;
	(pc) =	sbr.rel @p1 .LBB2_2-.Ltmp3, $4  }
0x26e: {  	v41 =	vld.idx.msk [tilespmem:v0+s26+$0xFFFFFEB0 ss:$0x1], $0xffff  }
0x26f: {  	v15 =	vadd.f32 v17, v15;
	v17 =	vadd.f32 v39, v22;
	v22 =	vmul.f32 v9, v9;
	v9 =	vld.idx.msk [tilespmem:v0+s26+$0xFFFFED40 ss:$0x1], $0xffff  }
0x270: {  	v21 =	vadd.f32 v21, v61;
	v61 =	vld [tilespmem:$0x1FB20]  }
0x271: {  	s29 =	sadd.s32 $0x20, s29;
	v48 =	vadd.f32 v26, v3;
	v10 =	vmul.f32 v10, v10;
	v19 =	vadd.f32 v19, v28;
	v28 =	vld [tilespmem:$0x1FAA0]  }
.LBB2_3:
0x272: {  	v22 =	vadd.f32 v22, v30;
	v30 =	vld [tilespmem:$0x1FB70];
	_ =	sdelay $0x1  }
0x273: {  	v26 =	vld [tilespmem:$0x1FD60]  }
0x274: {  	v3 =	vld [tilespmem:$0x1FD90]  }
0x275: {  	v34 =	vadd.f32 v55, v34;
	v55 =	vld [tilespmem:$0x1FBA0]  }
0x276: {  	v57 =	vld [tilespmem:$0x1FBD0];
	v30 =	vmul.f32 v30, v30  }
0x277: {  	v39 =	vld [tilespmem:$0x1FBF0]  }
0x278: {  	v7 =	vadd.f32 v30, v7;
	v30 =	vld [tilespmem:$0x1FB90]  }
0x279: {  	v36 =	vadd.f32 v59, v37;
	v59 =	vld [tilespmem:$0x1FC00]  }
0x27a: {  	v37 =	vadd.f32 v60, v62;
	v60 =	vld [tilespmem:$0x1FC10]  }
0x27b: {  	v62 =	vld.idx.msk [tilespmem:v0+s26+$0xFFFFF4B0 ss:$0x1], $0xffff  }
0x27c: {  	v2 =	vadd.f32 v61, v2;
	v61 =	vld [tilespmem:$0x1FC20]  }
0x27d: {  	v27 =	vadd.f32 v28, v58;
	v28 =	vadd.f32 v54, v3;
	v54 =	vld [tilespmem:$0x1FB80];
	v30 =	vmul.f32 v30, v30  }
0x27e: {  	v26 =	vadd.f32 v29, v26;
	v29 =	vadd.f32 v38, v56;
	v56 =	vld [tilespmem:$0x1FBB0]  }
0x27f: {  	v31 =	vadd.f32 v40, v31;
	v6 =	vadd.f32 v30, v6;
	v30 =	vld [tilespmem:$0x1FBC0]  }
0x280: {  	v32 =	vadd.f32 v42, v32;
	v5 =	vadd.f32 v24, v5;
	v58 =	vld [tilespmem:$0x1FBE0];
	v24 =	vmul.f32 v55, v55  }
0x281: {  	v4 =	vadd.f32 v10, v4;
	v1 =	vsub.f32 v36, v1;
	v3 =	vld [tilespmem:$0x1FF40];
	v39 =	vmul.f32 v39, v39  }
0x282: {  	v40 =	vmul.f32 v59, v59;
	v42 =	vmul.f32 v60, v60;
	v59 =	vld.idx.msk [tilespmem:v0+s26+$0xFFFFEE70 ss:$0x1], $0xffff;
	v24 =	vadd.f32 v24, v43  }
0x283: {  	v60 =	vld.idx.msk [tilespmem:v0+s26+$0xFFFFEFB0 ss:$0x1], $0xffff;
	v14 =	vadd.f32 v39, v14;
	v39 =	vmul.f32 v61, v61;
	v10 =	vmul.f32 v54, v54  }
0x284: {  	v16 =	vadd.f32 v42, v16;
	v61 =	vld.idx.msk [tilespmem:v0+s26+$0xFFFFF0F0 ss:$0x1], $0xffff;
	v38 =	vmul.f32 v56, v56;
	v30 =	vmul.f32 v30, v30  }
0x285: {  	v17 =	vadd.f32 v40, v17;
	v56 =	vld.idx.msk [tilespmem:v0+s26+$0xFFFFED30 ss:$0x1], $0xffff;
	v8 =	vadd.f32 v10, v8;
	v10 =	vmul.f32 v57, v57  }
0x286: {  	v11 =	vadd.f32 v38, v11;
	v38 =	vmul.f32 v58, v58;
	v13 =	vadd.f32 v30, v13;
	v30 =	vld.idx.msk [tilespmem:v0+s26+$0xFFFFF9B0 ss:$0x1], $0xffff  }
0x287: {  	v18 =	vadd.f32 v39, v18;
	v10 =	vadd.f32 v10, v12;
	v12 =	vld.idx.msk [tilespmem:v0+s26+$0xFFFFFC30 ss:$0x1], $0xffff  }
0x288: {  	v35 =	vadd.f32 v3, v35;
	v15 =	vadd.f32 v38, v15;
	v38 =	vld.idx.msk [tilespmem:v0+s26+$0xFFFFF730 ss:$0x1], $0xffff  }
0x289: {  	v18 =	vsub.f32 v18, v59;
	v11 =	vsub.f32 v11, v62;
	v62 =	vld.idx.msk [tilespmem:v0+s26+$0xFFFFF370 ss:$0x1], $0xffff  }
0x28a: {  	v53 =	vld.idx.msk [tilespmem:v0+s26+$0xFFFFF230 ss:$0x1], $0xffff;
	v3 =	vadd.f32 v44, v33;
	v16 =	vsub.f32 v16, v56  }
0x28b: {  	v14 =	vsub.f32 v14, v60;
	v18 =	vand.u32 $0x7FFFFFFF, v18;
	v7 =	vsub.f32 v7, v30;
	v30 =	vld.idx.msk [tilespmem:v0+s26+$0xFFFFF5F0 ss:$0x1], $0xffff  }
0x28c: {  	v17 =	vsub.f32 v17, v61;
	v18 =	vadd.f32 v18, v52;
	v16 =	vand.u32 $0x7FFFFFFF, v16  }
0x28d: {  	v36 =	vld.idx.msk [tilespmem:v0+s26+$0xFFFFF870 ss:$0x1], $0xffff;
	v16 =	vadd.f32 v16, v63;
	v3 =	vsub.f32 v3, v12  }
0x28e: {  	v6 =	vsub.f32 v6, v38;
	v12 =	vsub.f32 v15, v62;
	v38 =	vand.u32 $0x7FFFFFFF, v17  }
0x28f: {  	v39 =	vld.idx.msk [tilespmem:v0+s26+$0xFFFFFAF0 ss:$0x1], $0xffff;
	v14 =	vand.u32 $0x7FFFFFFF, v14;
	v10 =	vsub.f32 v10, v53;
	v15 =	vadd.f32 v38, v18  }
0x290: {  	v44 =	vld [tilespmem:$0x1FDE0];
	v14 =	vadd.f32 v14, v16;
	v12 =	vand.u32 $0x7FFFFFFF, v12;
	v13 =	vsub.f32 v13, v30  }
0x291: {  	v22 =	vsub.f32 v22, v41;
	v40 =	vld.idx.msk [tilespmem:v0+s26+$0xFFFFFD70 ss:$0x1], $0xffff;
	v10 =	vand.u32 $0x7FFFFFFF, v10;
	v12 =	vadd.f32 v12, v15  }
0x292: {  	v41 =	vsub.f32 v24, v36;
	v10 =	vadd.f32 v10, v14;
	v13 =	vand.u32 $0x7FFFFFFF, v13  }
0x293: {  	v11 =	vand.u32 $0x7FFFFFFF, v11;
	v42 =	vadd.f32 v13, v12  }
0x294: {  	v43 =	vand.u32 $0x7FFFFFFF, v41;
	v8 =	vsub.f32 v8, v39;
	v10 =	vadd.f32 v11, v10  }
0x295: {  	v19 =	vsub.f32 v19, v44;
	v6 =	vand.u32 $0x7FFFFFFF, v6;
	v44 =	vadd.f32 v43, v42  }
0x296: {  	v54 =	vld [tilespmem:$0x1FE20];
	v5 =	vsub.f32 v5, v40;
	v8 =	vand.u32 $0x7FFFFFFF, v8;
	v6 =	vadd.f32 v6, v10  }
0x297: {  	v7 =	vand.u32 $0x7FFFFFFF, v7;
	v52 =	vadd.f32 v8, v44  }
0x298: {  	v4 =	vsub.f32 v4, v25;
	v55 =	vld [tilespmem:$0x1FE00];
	v5 =	vand.u32 $0x7FFFFFFF, v5;
	v6 =	vadd.f32 v7, v6  }
0x299: {  	v2 =	vsub.f32 v2, v51;
	v3 =	vand.u32 $0x7FFFFFFF, v3;
	v5 =	vadd.f32 v5, v52  }
0x29a: {  	v4 =	vand.u32 $0x7FFFFFFF, v4;
	v9 =	vsub.f32 v35, v9;
	v3 =	vadd.f32 v3, v6  }
0x29b: {  	v21 =	vsub.f32 v21, v54;
	v53 =	vand.u32 $0x7FFFFFFF, v22;
	v4 =	vadd.f32 v4, v5  }
0x29c: {  	v2 =	vand.u32 $0x7FFFFFFF, v2;
	v54 =	vsub.f32 v37, v50;
	v3 =	vadd.f32 v53, v3  }
0x29d: {  	v20 =	vsub.f32 v20, v55;
	v55 =	vand.u32 $0x7FFFFFFF, v9;
	v2 =	vadd.f32 v2, v4  }
0x29e: {  	v56 =	vsub.f32 v32, v49;
	v3 =	vadd.f32 v55, v3;
	v5 =	vand.u32 $0x7FFFFFFF, v54  }
0x29f: {  	v1 =	vand.u32 $0x7FFFFFFF, v1;
	v2 =	vadd.f32 v5, v2  }
0x2a0: {  	v1 =	vadd.f32 v1, v3;
	v3 =	vsub.f32 v31, v47;
	v4 =	vand.u32 $0x7FFFFFFF, v56  }
0x2a1: {  	v58 =	vld [tilespmem:$0x1FE40];
	v2 =	vadd.f32 v4, v2  }
0x2a2: {  	v57 =	vld [tilespmem:$0x1FE50];
	v3 =	vand.u32 $0x7FFFFFFF, v3  }
0x2a3: {  	v2 =	vadd.f32 v3, v2;
	v3 =	vld [tilespmem:$0x1FE30];
	_ =	sdelay $0x1  }
0x2a4: {  	v23 =	vsub.f32 v34, v23  }
0x2a5: {  	v26 =	vsub.f32 v26, v58;
	v58 =	vsub.f32 v29, v45  }
0x2a6: {  	v28 =	vsub.f32 v28, v57  }
0x2a7: {  	v57 =	vand.u32 $0x7FFFFFFF, v23;
	v4 =	vand.u32 $0x7FFFFFFF, v58;
	v3 =	vsub.f32 v27, v3  }
0x2a8: {  	v61 =	vld [tilespmem:$0x1FE10];
	v1 =	vadd.f32 v57, v1;
	v2 =	vadd.f32 v4, v2  }
0x2a9: {  	v59 =	vand.u32 $0x7FFFFFFF, v28;
	v3 =	vand.u32 $0x7FFFFFFF, v3  }
0x2aa: {  	v1 =	vadd.f32 v59, v1;
	v2 =	vadd.f32 v3, v2;
	v3 =	vld [tilespmem:$0x1FDF0]  }
0x2ab: {  	v60 =	vand.u32 $0x7FFFFFFF, v26  }
0x2ac: {  	v1 =	vadd.f32 v60, v1  }
0x2ad: {  	v62 =	vand.u32 $0x7FFFFFFF, v21;
	v31 =	vld [tilespmem:$0x1FFE0];
	v4 =	vsub.f32 v48, v61  }
0x2ae: {  	v28 =	vld [tilespmem:$0x1FFB0];
	v1 =	vadd.f32 v62, v1  }
.Ltmp4:
0x2af: {  	v63 =	vand.u32 $0x7FFFFFFF, v20;
	v4 =	vand.u32 $0x7FFFFFFF, v4;
	v3 =	vsub.f32 v46, v3;
	(pc) =	sbr.rel @p0 .LBB2_5-.Ltmp4, $4  }
0x2b0: {  	v29 =	vld [tilespmem:$0x1FFC0];
	v1 =	vadd.f32 v63, v1;
	v4 =	vadd.f32 v4, v2  }
0x2b1: {  	v30 =	vld [tilespmem:$0x1FFD0];
	v2 =	vand.u32 $0x7FFFFFFF, v19;
	v3 =	vand.u32 $0x7FFFFFFF, v3  }
0x2b2: {  	v2 =	vadd.f32 v2, v1;
	v1 =	vadd.f32 v3, v4  }
0x2b3: {  	s13 =	smov.u32 s16;
	v32 =	vld [tilespmem:$0x1FFF0];
	s26 =	smov.u32 s15  }
.LBB2_4:
0x2b4: {  	s28 =	sshra.s32 s13, $0x2  }
0x2b5: {  	v3 =	vld.idx.msk [tilespmem:v31+s28+$0xFFFFED40 ss:$0x1], $0xffff  }
0x2b6: {  	v7 =	vld.idx.msk [tilespmem:v28+s28+$0x0 ss:$0x1], $0xffff  }
0x2b7: {  	v4 =	vld.idx.msk [tilespmem:v31+s28+$0xFFFFEE80 ss:$0x1], $0xffff  }
0x2b8: {  	v8 =	vld.idx.msk [tilespmem:v29+s28+$0x0 ss:$0x1], $0xffff  }
0x2b9: {  	v6 =	vld.idx.msk [tilespmem:v30+s28+$0x0 ss:$0x1], $0xffff  }
0x2ba: {  	v10 =	vld.idx.msk [tilespmem:v31+s28+$0xFFFFEFC0 ss:$0x1], $0xffff  }
0x2bb: {  	v11 =	vld.idx.msk [tilespmem:v32+s28+$0xFFFFED40 ss:$0x1], $0xffff  }
0x2bc: {  	v14 =	vld.idx.msk [tilespmem:v31+s28+$0xFFFFF100 ss:$0x1], $0xffff  }
0x2bd: {  	v15 =	vld.idx.msk [tilespmem:v32+s28+$0xFFFFEE80 ss:$0x1], $0xffff  }
0x2be: {  	v18 =	vld.idx.msk [tilespmem:v31+s28+$0xFFFFF240 ss:$0x1], $0xffff  }
0x2bf: {  	v19 =	vld.idx.msk [tilespmem:v32+s28+$0xFFFFEFC0 ss:$0x1], $0xffff  }
0x2c0: {  	v22 =	vld.idx.msk [tilespmem:v31+s28+$0xFFFFF380 ss:$0x1], $0xffff  }
0x2c1: {  	v23 =	vld.idx.msk [tilespmem:v32+s28+$0xFFFFF100 ss:$0x1], $0xffff  }
0x2c2: {  	v26 =	vld.idx.msk [tilespmem:v31+s28+$0xFFFFF4C0 ss:$0x1], $0xffff  }
0x2c3: {  	v50 =	vld.idx.msk [tilespmem:v31+s28+$0xFFFFF600 ss:$0x1], $0xffff  }
0x2c4: {  	v54 =	vld.idx.msk [tilespmem:v32+s28+$0xFFFFF380 ss:$0x1], $0xffff  }
0x2c5: {  	v59 =	vld.idx.msk [tilespmem:v31+s28+$0xFFFFF740 ss:$0x1], $0xffff  }
0x2c6: {  	v39 =	vld.idx.msk [tilespmem:v31+s28+$0xFFFFF880 ss:$0x1], $0xffff  }
0x2c7: {  	v5 =	vld.idx.msk [tilespmem:v3+s2+$0x0], $0xffff  }
0x2c8: {  	v9 =	vld.idx.msk [tilespmem:v3+s17+$0x0], $0xffff  }
0x2c9: {  	v3 =	vld.idx.msk [tilespmem:v3+s18+$0x0], $0xffff  }
0x2ca: {  	v12 =	vld.idx.msk [tilespmem:v4+s2+$0x0], $0xffff  }
0x2cb: {  	v13 =	vld.idx.msk [tilespmem:v4+s17+$0x0], $0xffff  }
0x2cc: {  	v4 =	vld.idx.msk [tilespmem:v4+s18+$0x0], $0xffff  }
0x2cd: {  	v16 =	vld.idx.msk [tilespmem:v10+s2+$0x0], $0xffff  }
0x2ce: {  	v17 =	vld.idx.msk [tilespmem:v10+s17+$0x0], $0xffff  }
0x2cf: {  	v10 =	vld.idx.msk [tilespmem:v10+s18+$0x0], $0xffff  }
0x2d0: {  	v20 =	vld.idx.msk [tilespmem:v14+s2+$0x0], $0xffff  }
0x2d1: {  	v21 =	vld.idx.msk [tilespmem:v14+s17+$0x0], $0xffff  }
0x2d2: {  	v14 =	vld.idx.msk [tilespmem:v14+s18+$0x0], $0xffff  }
0x2d3: {  	v24 =	vld.idx.msk [tilespmem:v18+s2+$0x0], $0xffff  }
0x2d4: {  	v25 =	vld.idx.msk [tilespmem:v18+s17+$0x0], $0xffff  }
0x2d5: {  	v45 =	vld.idx.msk [tilespmem:v18+s18+$0x0], $0xffff  }
0x2d6: {  	v18 =	vld.idx.msk [tilespmem:v32+s28+$0xFFFFF240 ss:$0x1], $0xffff  }
0x2d7: {  	v27 =	vld.idx.msk [tilespmem:v22+s2+$0x0], $0xffff;
	v5 =	vsub.f32 v7, v5;
	v9 =	vsub.f32 v8, v9  }
0x2d8: {  	v47 =	vld.idx.msk [tilespmem:v22+s17+$0x0], $0xffff;
	v3 =	vsub.f32 v6, v3;
	v12 =	vsub.f32 v7, v12  }
0x2d9: {  	v51 =	vld.idx.msk [tilespmem:v22+s18+$0x0], $0xffff;
	v13 =	vsub.f32 v8, v13;
	v4 =	vsub.f32 v6, v4  }
0x2da: {  	v55 =	vld.idx.msk [tilespmem:v26+s2+$0x0], $0xffff;
	v48 =	vsub.f32 v7, v16;
	v49 =	vsub.f32 v8, v17  }
0x2db: {  	v36 =	vld.idx.msk [tilespmem:v50+s17+$0x0], $0xffff;
	v10 =	vsub.f32 v6, v10;
	v57 =	vsub.f32 v7, v20  }
0x2dc: {  	v56 =	vld.idx.msk [tilespmem:v26+s17+$0x0], $0xffff;
	v58 =	vsub.f32 v8, v21;
	v61 =	vsub.f32 v6, v14;
	v5 =	vmul.f32 v5, v5  }
0x2dd: {  	v60 =	vld.idx.msk [tilespmem:v26+s18+$0x0], $0xffff;
	v33 =	vsub.f32 v7, v24;
	v9 =	vmul.f32 v9, v9;
	v3 =	vmul.f32 v3, v3  }
0x2de: {  	v35 =	vld.idx.msk [tilespmem:v50+s2+$0x0], $0xffff;
	v34 =	vsub.f32 v8, v25;
	v12 =	vmul.f32 v12, v12;
	v13 =	vmul.f32 v13, v13  }
0x2df: {  	v44 =	vld.idx.msk [tilespmem:v59+s2+$0x0], $0xffff;
	v40 =	vsub.f32 v7, v27;
	v4 =	vmul.f32 v4, v4;
	v52 =	vmul.f32 v48, v48  }
0x2e0: {  	v21 =	vld.idx.msk [tilespmem:v59+s18+$0x0], $0xffff;
	v14 =	vsub.f32 v8, v36;
	v53 =	vmul.f32 v49, v49;
	v10 =	vmul.f32 v10, v10  }
0x2e1: {  	v17 =	vld.idx.msk [tilespmem:v50+s18+$0x0], $0xffff;
	v62 =	vmul.f32 v58, v58;
	v37 =	vmul.f32 v33, v33;
	v46 =	vadd.f32 v13, v12  }
0x2e2: {  	v50 =	vld.idx.msk [tilespmem:v31+s28+$0xFFFFFB00 ss:$0x1], $0xffff;
	v38 =	vmul.f32 v34, v34;
	v5 =	vadd.f32 v9, v5;
	v9 =	vsub.f32 v6, v45  }
0x2e3: {  	v13 =	vmul.f32 v57, v57;
	v12 =	vsub.f32 v8, v47;
	v4 =	vadd.f32 v4, v46;
	v46 =	vld.idx.msk [tilespmem:v31+s28+$0xFFFFF9C0 ss:$0x1], $0xffff  }
0x2e4: {  	v24 =	vld.idx.msk [tilespmem:v31+s28+$0xFFFFFD80 ss:$0x1], $0xffff;
	v43 =	vmul.f32 v40, v40;
	v41 =	vadd.f32 v38, v37;
	v3 =	vadd.f32 v3, v5  }
0x2e5: {  	v45 =	vld.idx.msk [tilespmem:v59+s17+$0x0], $0xffff;
	v59 =	vsub.f32 v6, v21;
	v13 =	vadd.f32 v62, v13;
	v9 =	vmul.f32 v9, v9  }
0x2e6: {  	v48 =	vld.idx.msk [tilespmem:v39+s2+$0x0], $0xffff;
	v5 =	vsub.f32 v6, v51;
	v12 =	vmul.f32 v12, v12;
	v3 =	vsub.f32 v3, v11  }
0x2e7: {  	v14 =	vmul.f32 v14, v14;
	v34 =	vld.idx.msk [tilespmem:v31+s28+$0xFFFFFEC0 ss:$0x1], $0xffff;
	v51 =	vsub.f32 v7, v35;
	v4 =	vsub.f32 v4, v15  }
0x2e8: {  	v57 =	vld.idx.msk [tilespmem:v31+s28+$0xFFFFFC40 ss:$0x1], $0xffff;
	v9 =	vadd.f32 v9, v41;
	v12 =	vadd.f32 v12, v43;
	v3 =	vand.u32 $0x7FFFFFFF, v3  }
0x2e9: {  	v49 =	vld.idx.msk [tilespmem:v39+s17+$0x0], $0xffff;
	v62 =	vmul.f32 v59, v59;
	v2 =	vadd.f32 v3, v2;
	v3 =	vadd.f32 v53, v52  }
0x2ea: {  	v5 =	vmul.f32 v5, v5;
	v15 =	vsub.f32 v7, v55;
	v11 =	vsub.f32 v8, v56;
	v52 =	vld.idx.msk [tilespmem:v39+s18+$0x0], $0xffff  }
0x2eb: {  	v56 =	vsub.f32 v7, v44;
	v3 =	vadd.f32 v10, v3;
	v10 =	vmul.f32 v61, v61;
	v55 =	vld.idx.msk [tilespmem:v46+s2+$0x0], $0xffff  }
0x2ec: {  	v4 =	vand.u32 $0x7FFFFFFF, v4;
	v9 =	vsub.f32 v9, v18;
	v5 =	vadd.f32 v5, v12;
	v58 =	vld.idx.msk [tilespmem:v46+s17+$0x0], $0xffff  }
0x2ed: {  	v15 =	vmul.f32 v15, v15;
	v18 =	vsub.f32 v7, v48;
	v10 =	vadd.f32 v10, v13;
	v13 =	vld.idx.msk [tilespmem:v46+s18+$0x0], $0xffff  }
0x2ee: {  	v11 =	vmul.f32 v11, v11;
	v1 =	vadd.f32 v4, v1;
	v3 =	vsub.f32 v3, v19;
	v46 =	vld.idx.msk [tilespmem:v24+s18+$0x0], $0xffff  }
0x2ef: {  	v48 =	vld.idx.msk [tilespmem:v34+s2+$0x0], $0xffff;
	v4 =	vsub.f32 v6, v60;
	v60 =	vmul.f32 v56, v56;
	v5 =	vsub.f32 v5, v54  }
0x2f0: {  	v54 =	vsub.f32 v6, v17;
	v40 =	vld.idx.msk [tilespmem:v57+s18+$0x0], $0xffff;
	v16 =	vsub.f32 v6, v52;
	v3 =	vand.u32 $0x7FFFFFFF, v3  }
0x2f1: {  	v4 =	vmul.f32 v4, v4;
	v2 =	vadd.f32 v3, v2;
	v3 =	vsub.f32 v10, v23  }
0x2f2: {  	v37 =	vld.idx.msk [tilespmem:v31+s28+$0x0 ss:$0x1], $0xffff;
	v5 =	vand.u32 $0x7FFFFFFF, v5;
	v10 =	vsub.f32 v8, v45;
	v35 =	vsub.f32 v7, v55  }
0x2f3: {  	v63 =	vld.idx.msk [tilespmem:v32+s28+$0xFFFFF4C0 ss:$0x1], $0xffff;
	v3 =	vand.u32 $0x7FFFFFFF, v3;
	v38 =	vsub.f32 v6, v13;
	v56 =	vsub.f32 v6, v46  }
0x2f4: {  	v42 =	vld.idx.msk [tilespmem:v32+s28+$0xFFFFF600 ss:$0x1], $0xffff;
	v10 =	vmul.f32 v10, v10;
	v13 =	vsub.f32 v7, v48;
	v1 =	vadd.f32 v3, v1  }
0x2f5: {  	v47 =	vld.idx.msk [tilespmem:v32+s28+$0xFFFFF740 ss:$0x1], $0xffff;
	v3 =	vand.u32 $0x7FFFFFFF, v9;
	v9 =	vsub.f32 v8, v49;
	v49 =	vsub.f32 v6, v40  }
0x2f6: {  	v25 =	vld.idx.msk [tilespmem:v50+s17+$0x0], $0xffff;
	v2 =	vadd.f32 v3, v2;
	v3 =	vadd.f32 v11, v15;
	v15 =	vmul.f32 v51, v51  }
0x2f7: {  	v18 =	vmul.f32 v18, v18;
	v33 =	vld.idx.msk [tilespmem:v57+s2+$0x0], $0xffff;
	v10 =	vadd.f32 v10, v60;
	v1 =	vadd.f32 v5, v1  }
0x2f8: {  	v11 =	vld.idx.msk [tilespmem:v50+s18+$0x0], $0xffff;
	v9 =	vmul.f32 v9, v9;
	v3 =	vadd.f32 v4, v3;
	v14 =	vadd.f32 v14, v15  }
0x2f9: {  	v53 =	vld.idx.msk [tilespmem:v32+s28+$0xFFFFF880 ss:$0x1], $0xffff;
	v5 =	vmul.f32 v54, v54;
	v10 =	vadd.f32 v62, v10;
	v15 =	vsub.f32 v8, v58  }
0x2fa: {  	v16 =	vmul.f32 v16, v16;
	v4 =	vld.idx.msk [tilespmem:v37+s18+$0x0], $0xffff;
	v9 =	vadd.f32 v9, v18;
	v3 =	vsub.f32 v3, v63  }
0x2fb: {  	v36 =	vld.idx.msk [tilespmem:v57+s17+$0x0], $0xffff;
	v12 =	vmul.f32 v35, v35;
	v5 =	vadd.f32 v5, v14;
	v26 =	vsub.f32 v10, v47  }
0x2fc: {  	v13 =	vmul.f32 v13, v13;
	v63 =	vld.idx.msk [tilespmem:v50+s2+$0x0], $0xffff;
	v14 =	vsub.f32 v8, v25;
	v10 =	vsub.f32 v7, v33  }
0x2fd: {  	v52 =	vld.idx.msk [tilespmem:v37+s2+$0x0], $0xffff;
	v39 =	vmul.f32 v15, v15;
	v11 =	vsub.f32 v6, v11;
	v5 =	vsub.f32 v5, v42  }
0x2fe: {  	v3 =	vand.u32 $0x7FFFFFFF, v3;
	v42 =	vld.idx.msk [tilespmem:v24+s2+$0x0], $0xffff;
	v14 =	vmul.f32 v14, v14;
	v10 =	vmul.f32 v10, v10  }
0x2ff: {  	v51 =	vld.idx.msk [tilespmem:v34+s17+$0x0], $0xffff;
	v2 =	vadd.f32 v3, v2;
	v4 =	vsub.f32 v6, v4;
	v3 =	vand.u32 $0x7FFFFFFF, v5  }
0x300: {  	v11 =	vmul.f32 v11, v11;
	v1 =	vadd.f32 v3, v1;
	v3 =	vadd.f32 v16, v9  }
0x301: {  	v43 =	vld.idx.msk [tilespmem:v24+s17+$0x0], $0xffff;
	v5 =	vand.u32 $0x7FFFFFFF, v26;
	v41 =	vsub.f32 v7, v63;
	v16 =	vsub.f32 v8, v36  }
0x302: {  	v54 =	vld.idx.msk [tilespmem:v37+s17+$0x0], $0xffff;
	v2 =	vadd.f32 v5, v2;
	v5 =	vmul.f32 v38, v38;
	v3 =	vsub.f32 v3, v53  }
0x303: {  	v9 =	vld.idx.msk [tilespmem:v34+s18+$0x0], $0xffff;
	v44 =	vmul.f32 v41, v41;
	v50 =	vmul.f32 v16, v16;
	v18 =	vsub.f32 v7, v42  }
0x304: {  	v53 =	vmul.f32 v49, v49;
	v16 =	vsub.f32 v8, v51;
	v7 =	vsub.f32 v7, v52  }
0x305: {  	v3 =	vand.u32 $0x7FFFFFFF, v3;
	v47 =	vadd.f32 v14, v44;
	v10 =	vadd.f32 v50, v10  }
0x306: {  	v61 =	vld.idx.msk [tilespmem:v32+s28+$0xFFFFF9C0 ss:$0x1], $0xffff;
	v55 =	vmul.f32 v18, v18;
	v1 =	vadd.f32 v3, v1;
	v3 =	vadd.f32 v39, v12  }
0x307: {  	v45 =	vld.idx.msk [tilespmem:v32+s28+$0xFFFFFB00 ss:$0x1], $0xffff;
	v16 =	vmul.f32 v16, v16;
	v12 =	vsub.f32 v8, v43;
	v8 =	vsub.f32 v8, v54  }
0x308: {  	v59 =	vld.idx.msk [tilespmem:v32+s28+$0xFFFFFEC0 ss:$0x1], $0xffff;
	v7 =	vmul.f32 v7, v7;
	v9 =	vsub.f32 v6, v9;
	v10 =	vadd.f32 v53, v10  }
0x309: {  	v57 =	vld.idx.msk [tilespmem:v32+s28+$0xFFFFFC40 ss:$0x1], $0xffff;
	v60 =	vadd.f32 v16, v13;
	v3 =	vadd.f32 v5, v3;
	v12 =	vmul.f32 v12, v12  }
0x30a: {  	v58 =	vld.idx.msk [tilespmem:v32+s28+$0xFFFFFD80 ss:$0x1], $0xffff;
	v5 =	vadd.f32 v11, v47;
	v11 =	vmul.f32 v56, v56;
	v8 =	vmul.f32 v8, v8  }
0x30b: {  	v9 =	vmul.f32 v9, v9;
	v3 =	vsub.f32 v3, v61;
	v12 =	vadd.f32 v12, v55  }
0x30c: {  	v4 =	vmul.f32 v4, v4;
	v5 =	vsub.f32 v5, v45;
	v61 =	vld.idx.msk [tilespmem:v32+s28+$0x0 ss:$0x1], $0xffff;
	v7 =	vadd.f32 v8, v7  }
0x30d: {  	v9 =	vadd.f32 v9, v60;
	v11 =	vadd.f32 v11, v12  }
0x30e: {  	s26 =	sadd.s32 $0x1, s26;
	v10 =	vsub.f32 v10, v57;
	v4 =	vadd.f32 v4, v7;
	v3 =	vand.u32 $0x7FFFFFFF, v3  }
0x30f: {  	p1 =	slt.u32 s26, $0x13;
	v5 =	vand.u32 $0x7FFFFFFF, v5;
	v6 =	vsub.f32 v9, v59;
	v62 =	vsub.f32 v11, v58  }
.Ltmp5:
0x310: {  	v2 =	vadd.f32 v3, v2;
	v1 =	vadd.f32 v5, v1;
	(pc) =	sbr.rel @p1 .LBB2_4-.Ltmp5, $4  }
0x311: {  	v3 =	vand.u32 $0x7FFFFFFF, v10;
	v4 =	vsub.f32 v4, v61;
	v63 =	vand.u32 $0x7FFFFFFF, v62  }
0x312: {  	v2 =	vadd.f32 v3, v2;
	v1 =	vadd.f32 v63, v1  }
0x313: {  	v3 =	vand.u32 $0x7FFFFFFF, v6;
	v4 =	vand.u32 $0x7FFFFFFF, v4  }
0x314: {  	s13 =	sadd.s32 $0x40, s13;
	v2 =	vadd.f32 v3, v2;
	v1 =	vadd.f32 v4, v1  }
.Ltmp6:
0x315: {  	_ = 	snop;
	(pc) =	sbr.rel .LBB2_5-.Ltmp6, $1  }
0x316: {  	_ =	sdelay $0x3  }
.LBB2_6:
0x317: {  	_ =	sfence.sel $0x180000  }
0x318: {  	[bflag:$0x0] =	sbarrier.arrive $0xFFFF  }
0x319: {  	_ =	strace $0x90000047  }
0x31a: {  	[bflag:$0x2] =	sbarrier.arrive $0xFFFF  }
0x31b: {  	p0 =	sne.s32 s0, $0x0;
	s0 =	rddreg [dreg:$0x2]  }
0x31c: {  	s0 =	sadd.s32 @!p0 $0x100000, s0  }
0x31d: {  	[sflag:s0] =	ssyncadd.tile.s32 @!p0 $0x1;
	_ =	shalt  }
.Lfunc_end2:
_tile_overlayer_lowered:
.L_overlay_start_2:
0x31e: {  	(tag) =	ssettag $0x2  }
0x31f: {  	s0 =	rddreg [dreg:$0x0];
	s2 =	stileid.u32  }
0x320: {  	s1 =	rddreg [dreg:$0x1];
	p0 =	sne.s32 s2, $0x0  }
0x321: {  	s3 =	rddreg [dreg:$0x2];
	[bflag:$0x3] =	sbarrier.arrive $0xFFFF;
	s2 =	simm.s32 @!p0 $0x1C02  }
0x322: {  	[timem:s3], [sflag:s2] =	dma.local @!p0 [hbm:s0], s1  }
0x323: {  	s0 =	simm.s32 @!p0 $0x2  }
0x324: {  	_ =	swait.ge @!p0 [sflag:s0], s1  }
0x325: {  	s1 =	ssub.s32 @!p0 $0x0, s1;
	[sflag:s0] =	ssyncset.done @!p0 $0x0  }
0x326: {  	[sflag:s0] =	ssyncadd.s32 @!p0 s1  }
0x327: {  	[bflag:$0x3] =	sbarrier.arrive $0xFFFF  }
0x328: {  	_ =	shalt  }

</sc_bundles>
